<compile_context>
chip_gen: v7x
topology: tpu7x:2x2x1
jax: 0.10.2.dev20260603
libtpu: 0.0.44.dev20260713+nightly
codegen_flags: <defaults>
</compile_context>

<pallas_src>
import functools
import jax
import jax.numpy as jnp
from jax import lax
from jax.experimental import pallas as pl
from jax.experimental.pallas import tpu as pltpu
from jax.experimental.pallas import tpu_sc as plsc

N_NODES = 10000
N_EDGES = 320000
D_FEAT = 128
HIDDEN = 16
N_CLASSES = 32
NEG_SLOPE = 0.2

NC = 2
NS = 16
NW = NC * NS
K = 1024
CH0 = 12
CH1 = 8
T_CHUNKS = NS * (CH0 + CH1)
E_PAD = T_CHUNKS * K
N_ACC = -(-(N_NODES + 1) // (NS * 8)) * NS * 8
RPS = N_ACC // NS


def _leaky(a):
  return jnp.where(a >= 0, a, NEG_SLOPE * a)



def _dense1_body(x_ref, w_ref, att_ref, y_ref):
  xp = jnp.dot(x_ref[...], w_ref[...], preferred_element_type=jnp.float32)
  alpha = jnp.sum(xp * att_ref[...], axis=1, keepdims=True)
  y_ref[...] = xp * _leaky(alpha)


def _dense2_body(p_ref, y1_ref, b1_ref, w_ref, att_ref, y_ref):
  h = p_ref[0] + p_ref[1] + y1_ref[...] + b1_ref[...]
  h = jnp.maximum(h, 0.0)
  xp = jnp.dot(h, w_ref[...], preferred_element_type=jnp.float32)
  alpha = jnp.sum(xp * att_ref[...], axis=1, keepdims=True)
  y_ref[...] = xp * _leaky(alpha)


def _final_body(q_ref, y2_ref, b2_ref, o_ref):
  o_ref[...] = q_ref[0] + q_ref[1] + y2_ref[...] + b2_ref[...]


def _tc_call(body, out_shape, *args):
  return pl.pallas_call(
      body, out_shape=jax.ShapeDtypeStruct(out_shape, jnp.float32))(*args)



def _make_sc_scatter(d):
  mesh = plsc.VectorSubcoreMesh(core_axis_name="c", subcore_axis_name="s")

  @functools.partial(
      pl.kernel,
      out_type=jax.ShapeDtypeStruct((NC, N_ACC, d), jnp.float32),
      mesh=mesh,
      compiler_params=pltpu.CompilerParams(use_tc_tiling_on_sc=False),
      scratch_types=[
          pltpu.VMEM((max(CH0, CH1), K), jnp.int32),
          pltpu.VMEM((max(CH0, CH1), K), jnp.int32),
          pltpu.VMEM((K, d), jnp.float32),
          pltpu.VMEM((RPS, d), jnp.float32),
          pltpu.VMEM_SHARED((N_ACC, d), jnp.float32),
          pltpu.VMEM_SHARED((N_ACC, d), jnp.float32),
          pltpu.SemaphoreType.DMA,
      ],
  )
  def sc_scatter(y_hbm, src_hbm, dst_hbm, zero_hbm, out_hbm,
                 sidx, didx, rows, stage, acc, y_sp, sem0):
    c = lax.axis_index("c")
    s = lax.axis_index("s")

    stripe = pl.ds(s * RPS, RPS)
    pltpu.sync_copy(y_hbm.at[stripe], stage)
    pltpu.sync_copy(stage, y_sp.at[stripe])
    pltpu.sync_copy(zero_hbm, stage)
    pltpu.sync_copy(stage, acc.at[stripe])
    plsc.subcore_barrier()

    def run(base, nch):
      pltpu.sync_copy(src_hbm.at[pl.ds(base, nch)], sidx.at[pl.ds(0, nch)])
      pltpu.sync_copy(dst_hbm.at[pl.ds(base, nch)], didx.at[pl.ds(0, nch)])

      def batch(j, carry):
        pltpu.async_copy(y_sp.at[sidx.at[j]], rows, sem0).wait()
        pltpu.sync_copy(rows, acc.at[didx.at[j]], add=True)
        return carry

      lax.fori_loop(0, nch, batch, 0)

    @pl.when(c == 0)
    def _():
      run(s * CH0, CH0)

    @pl.when(c == 1)
    def _():
      run(NS * CH0 + s * CH1, CH1)

    plsc.subcore_barrier()

    pltpu.sync_copy(acc.at[pl.ds(s * RPS, RPS)], stage)
    pltpu.sync_copy(stage, out_hbm.at[c, pl.ds(s * RPS, RPS)])

  return sc_scatter


_sc_scatter_h = _make_sc_scatter(HIDDEN)
_sc_scatter_c = _make_sc_scatter(N_CLASSES)



@jax.jit
def kernel(x, edge_index, edge_weight, W1, att_src1, bias1, W2, att_src2,
           bias2):
  del edge_weight
  src = edge_index[0].astype(jnp.int32)
  dst = edge_index[1].astype(jnp.int32)
  pad = jnp.full((E_PAD - N_EDGES,), N_NODES, jnp.int32)
  src_p = jnp.concatenate([src, pad]).reshape(T_CHUNKS, K)
  dst_p = jnp.concatenate([dst, pad]).reshape(T_CHUNKS, K)

  x_p = jnp.concatenate(
      [x, jnp.zeros((N_ACC - N_NODES, D_FEAT), jnp.float32)])

  zeros_h = jnp.zeros((RPS, HIDDEN), jnp.float32)
  zeros_c = jnp.zeros((RPS, N_CLASSES), jnp.float32)

  y1 = _tc_call(_dense1_body, (N_ACC, HIDDEN), x_p, W1,
                att_src1.reshape(1, HIDDEN))
  p = _sc_scatter_h(y1, src_p, dst_p, zeros_h)
  y2 = _tc_call(_dense2_body, (N_ACC, N_CLASSES), p, y1,
                bias1.reshape(1, HIDDEN), W2, att_src2.reshape(1, N_CLASSES))
  q = _sc_scatter_c(y2, src_p, dst_p, zeros_c)
  out = _tc_call(_final_body, (N_ACC, N_CLASSES), q, y2,
                 bias2.reshape(1, N_CLASSES))
  return out[:N_NODES]

# --- scband reference (transcript-rebuilt; emitter-appended) ---
"""Pipeline reference for scband-gat-68762426409265 (READ-ONLY COPY).

The authoritative reference and input builder live on the scoring server;
editing this copy changes nothing except your own understanding.
"""

import jax, jax.numpy as jnp
import numpy as np

N_NODES = 10000
N_EDGES = 320000
D_FEAT = 128
HIDDEN = 16
N_CLASSES = 32
NEG_SLOPE = 0.2


def setup_inputs(seed: int = 0) -> dict:
    key = jax.random.key(seed)
    ks = jax.random.split(key, 10)
    x = jax.random.normal(ks[0], (N_NODES, D_FEAT), dtype=jnp.float32)
    edge_index = jax.random.randint(ks[1], (2, N_EDGES), 0, N_NODES, dtype=jnp.int64)
    edge_weight = jax.random.uniform(ks[2], (N_EDGES,), dtype=jnp.float32)
    # conv1 params (in=D_FEAT, out=HIDDEN, heads=1)
    W1 = jax.random.normal(ks[3], (D_FEAT, HIDDEN), dtype=jnp.float32) * (1.0 / np.sqrt(D_FEAT))
    att_src1 = jax.random.normal(ks[4], (HIDDEN,), dtype=jnp.float32) * 0.1
    bias1 = jnp.zeros((HIDDEN,), dtype=jnp.float32)
    # conv2 params (in=HIDDEN, out=N_CLASSES, heads=1)
    W2 = jax.random.normal(ks[5], (HIDDEN, N_CLASSES), dtype=jnp.float32) * (1.0 / np.sqrt(HIDDEN))
    att_src2 = jax.random.normal(ks[6], (N_CLASSES,), dtype=jnp.float32) * 0.1
    bias2 = jnp.zeros((N_CLASSES,), dtype=jnp.float32)
    return {"x": x, "edge_index": edge_index, "edge_weight": edge_weight,
            "W1": W1, "att_src1": att_src1, "bias1": bias1,
            "W2": W2, "att_src2": att_src2, "bias2": bias2}


def _gat_conv(x, src, dst, n_nodes, W, att_src, bias):
    # x' = x W ; alpha_src = sum(x' * att_src); custom message: x_j * leaky_relu(alpha_j)
    # (edge_weight is never forwarded into propagate in the original code, so it is unused;
    #  no softmax / alpha_i because the overridden message only consumes x_j and alpha_j)
    xp = x @ W
    alpha = jnp.sum(xp * att_src[None, :], axis=-1)
    alpha = jax.nn.leaky_relu(alpha, NEG_SLOPE)
    m = xp[src] * alpha[src][:, None]
    out = jax.ops.segment_sum(m, dst, num_segments=n_nodes)
    return out + bias[None, :]


def reference(x, edge_index, edge_weight, W1, att_src1, bias1, W2, att_src2, bias2):
    n = x.shape[0]
    loops = jnp.arange(n, dtype=edge_index.dtype)
    ei = jnp.concatenate([edge_index, jnp.stack([loops, loops], axis=0)], axis=1)
    src, dst = ei[0], ei[1]
    h = _gat_conv(x, src, dst, n, W1, att_src1, bias1)
    h = jax.nn.relu(h)
    # dropout is identity in eval mode
    out = _gat_conv(h, src, dst, n, W2, att_src2, bias2)
    return out

if __name__ == "__main__":
    import jax
    _d = setup_inputs()
    print(jax.jit(kernel)(*tuple(_d.values())))

</pallas_src>

<mosaic_0001>
#map = affine_map<(d0, d1) -> (0, 0)>
#map1 = affine_map<(d0, d1) -> (0, 0, 0)>
module attributes {stable_mosaic.version = 14 : i64} {
  func.func @sc_scatter(%arg0: i32, %arg1: i32, %arg2: memref<10112x16xf32, #tpu.memory_space<hbm>>, %arg3: memref<320x1024xi32, #tpu.memory_space<hbm>>, %arg4: memref<320x1024xi32, #tpu.memory_space<hbm>>, %arg5: memref<632x16xf32, #tpu.memory_space<hbm>>, %arg6: memref<2x10112x16xf32, #tpu.memory_space<hbm>>, %arg7: memref<12x1024xi32, #tpu.memory_space<vmem>>, %arg8: memref<12x1024xi32, #tpu.memory_space<vmem>>, %arg9: memref<1024x16xf32, #tpu.memory_space<vmem>>, %arg10: memref<632x16xf32, #tpu.memory_space<vmem>>, %arg11: memref<10112x16xf32, #tpu.memory_space<vmem_shared>>, %arg12: memref<10112x16xf32, #tpu.memory_space<vmem_shared>>, %arg13: memref<!tpu.dma_semaphore, #tpu.memory_space<semaphore_mem>>) attributes {dimension_semantics = [#tpu.dimension_semantics<core_parallel>, #tpu.dimension_semantics<subcore_parallel>], iteration_bounds = array<i64: 2, 16>, scalar_prefetch = 0 : i64, scratch_operands = 7 : i64, tpu.core_type = #tpu.core_type<sc_vector_subcore>, window_params = [{transform_indices = #map}, {transform_indices = #map}, {transform_indices = #map}, {transform_indices = #map}, {transform_indices = #map1}]} {
    %mul3A = arith.constant 632 : i32
    %mul3A_0 = arith.muli %arg1, %mul3A : i32
    "tpu.region"() ({
      %run_scoped3A = tpu.sem_alloc : memref<!tpu.dma_semaphore, #tpu.memory_space<semaphore_mem>>
      %dma_start3A = arith.constant 0 : i32
      %dma_start3A_13 = tpu.memref_slice %arg2[%mul3A_0, %dma_start3A] : memref<10112x16xf32, #tpu.memory_space<hbm>> -> memref<632x16xf32, #tpu.memory_space<hbm>>
      %dma_start3A_14 = arith.constant 0 : i32
      %dma_start3A_15 = tpu.memref_slice %arg2[%mul3A_0, %dma_start3A_14] : memref<10112x16xf32, #tpu.memory_space<hbm>> -> memref<632x16xf32, #tpu.memory_space<hbm>>
      tpu.enqueue_dma source(%dma_start3A_15 : memref<632x16xf32, #tpu.memory_space<hbm>>) target(%arg10 : memref<632x16xf32, #tpu.memory_space<vmem>>) target_semaphore(%run_scoped3A : memref<!tpu.dma_semaphore, #tpu.memory_space<semaphore_mem>>)
      %dma_wait3A = arith.constant 0 : i32
      %dma_wait3A_16 = tpu.memref_slice %arg2[%mul3A_0, %dma_wait3A] : memref<10112x16xf32, #tpu.memory_space<hbm>> -> memref<632x16xf32, #tpu.memory_space<hbm>>
      %dma_wait3A_17 = arith.constant 0 : i32
      %dma_wait3A_18 = tpu.memref_slice %arg2[%mul3A_0, %dma_wait3A_17] : memref<10112x16xf32, #tpu.memory_space<hbm>> -> memref<632x16xf32, #tpu.memory_space<hbm>>
      tpu.wait_dma2 semaphore(%run_scoped3A : memref<!tpu.dma_semaphore, #tpu.memory_space<semaphore_mem>>) src(%dma_wait3A_18 : memref<632x16xf32, #tpu.memory_space<hbm>>) dst(%arg10 : memref<632x16xf32, #tpu.memory_space<vmem>>)
      tpu.yield
    }) : () -> ()
    "tpu.region"() ({
      %run_scoped3A = tpu.sem_alloc : memref<!tpu.dma_semaphore, #tpu.memory_space<semaphore_mem>>
      %dma_start3A = arith.constant 0 : i32
      %dma_start3A_13 = tpu.memref_slice %arg12[%mul3A_0, %dma_start3A] : memref<10112x16xf32, #tpu.memory_space<vmem_shared>> -> memref<632x16xf32, #tpu.memory_space<vmem_shared>>
      %dma_start3A_14 = arith.constant 0 : i32
      %dma_start3A_15 = tpu.memref_slice %arg12[%mul3A_0, %dma_start3A_14] : memref<10112x16xf32, #tpu.memory_space<vmem_shared>> -> memref<632x16xf32, #tpu.memory_space<vmem_shared>>
      tpu.enqueue_dma source(%arg10 : memref<632x16xf32, #tpu.memory_space<vmem>>) target(%dma_start3A_15 : memref<632x16xf32, #tpu.memory_space<vmem_shared>>) target_semaphore(%run_scoped3A : memref<!tpu.dma_semaphore, #tpu.memory_space<semaphore_mem>>)
      %dma_wait3A = arith.constant 0 : i32
      %dma_wait3A_16 = tpu.memref_slice %arg12[%mul3A_0, %dma_wait3A] : memref<10112x16xf32, #tpu.memory_space<vmem_shared>> -> memref<632x16xf32, #tpu.memory_space<vmem_shared>>
      %dma_wait3A_17 = arith.constant 0 : i32
      %dma_wait3A_18 = tpu.memref_slice %arg12[%mul3A_0, %dma_wait3A_17] : memref<10112x16xf32, #tpu.memory_space<vmem_shared>> -> memref<632x16xf32, #tpu.memory_space<vmem_shared>>
      tpu.wait_dma2 semaphore(%run_scoped3A : memref<!tpu.dma_semaphore, #tpu.memory_space<semaphore_mem>>) src(%arg10 : memref<632x16xf32, #tpu.memory_space<vmem>>) dst(%dma_wait3A_18 : memref<632x16xf32, #tpu.memory_space<vmem_shared>>)
      tpu.yield
    }) : () -> ()
    "tpu.region"() ({
      %run_scoped3A = tpu.sem_alloc : memref<!tpu.dma_semaphore, #tpu.memory_space<semaphore_mem>>
      tpu.enqueue_dma source(%arg5 : memref<632x16xf32, #tpu.memory_space<hbm>>) target(%arg10 : memref<632x16xf32, #tpu.memory_space<vmem>>) target_semaphore(%run_scoped3A : memref<!tpu.dma_semaphore, #tpu.memory_space<semaphore_mem>>)
      tpu.wait_dma2 semaphore(%run_scoped3A : memref<!tpu.dma_semaphore, #tpu.memory_space<semaphore_mem>>) src(%arg5 : memref<632x16xf32, #tpu.memory_space<hbm>>) dst(%arg10 : memref<632x16xf32, #tpu.memory_space<vmem>>)
      tpu.yield
    }) : () -> ()
    "tpu.region"() ({
      %run_scoped3A = tpu.sem_alloc : memref<!tpu.dma_semaphore, #tpu.memory_space<semaphore_mem>>
      %dma_start3A = arith.constant 0 : i32
      %dma_start3A_13 = tpu.memref_slice %arg11[%mul3A_0, %dma_start3A] : memref<10112x16xf32, #tpu.memory_space<vmem_shared>> -> memref<632x16xf32, #tpu.memory_space<vmem_shared>>
      %dma_start3A_14 = arith.constant 0 : i32
      %dma_start3A_15 = tpu.memref_slice %arg11[%mul3A_0, %dma_start3A_14] : memref<10112x16xf32, #tpu.memory_space<vmem_shared>> -> memref<632x16xf32, #tpu.memory_space<vmem_shared>>
      tpu.enqueue_dma source(%arg10 : memref<632x16xf32, #tpu.memory_space<vmem>>) target(%dma_start3A_15 : memref<632x16xf32, #tpu.memory_space<vmem_shared>>) target_semaphore(%run_scoped3A : memref<!tpu.dma_semaphore, #tpu.memory_space<semaphore_mem>>)
      %dma_wait3A = arith.constant 0 : i32
      %dma_wait3A_16 = tpu.memref_slice %arg11[%mul3A_0, %dma_wait3A] : memref<10112x16xf32, #tpu.memory_space<vmem_shared>> -> memref<632x16xf32, #tpu.memory_space<vmem_shared>>
      %dma_wait3A_17 = arith.constant 0 : i32
      %dma_wait3A_18 = tpu.memref_slice %arg11[%mul3A_0, %dma_wait3A_17] : memref<10112x16xf32, #tpu.memory_space<vmem_shared>> -> memref<632x16xf32, #tpu.memory_space<vmem_shared>>
      tpu.wait_dma2 semaphore(%run_scoped3A : memref<!tpu.dma_semaphore, #tpu.memory_space<semaphore_mem>>) src(%arg10 : memref<632x16xf32, #tpu.memory_space<vmem>>) dst(%dma_wait3A_18 : memref<632x16xf32, #tpu.memory_space<vmem_shared>>)
      tpu.yield
    }) : () -> ()
    %barrier3A = arith.constant 0 : index
    tpu.barrier barrier_id(%barrier3A)
    %eq3A = arith.constant 0 : i32
    %eq3A_1 = arith.cmpi eq, %arg0, %eq3A : i32
    %convert_element_type3A = arith.extui %eq3A_1 : i1 to i32
    %cond3A = arith.constant 0 : i32
    %cond3A_2 = arith.cmpi ne, %convert_element_type3A, %cond3A : i32
    scf.if %cond3A_2 {
      %mul3A_13 = arith.constant 12 : i32
      %mul3A_14 = arith.muli %arg1, %mul3A_13 : i32
      "tpu.region"() ({
        %run_scoped3A = tpu.sem_alloc : memref<!tpu.dma_semaphore, #tpu.memory_space<semaphore_mem>>
        %dma_start3A = arith.constant 0 : i32
        %dma_start3A_20 = arith.constant 0 : i32
        %dma_start3A_21 = tpu.memref_slice %arg7[%dma_start3A, %dma_start3A_20] : memref<12x1024xi32, #tpu.memory_space<vmem>> -> memref<12x1024xi32, #tpu.memory_space<vmem>>
        %dma_start3A_22 = arith.constant 0 : i32
        %dma_start3A_23 = tpu.memref_slice %arg3[%mul3A_14, %dma_start3A_22] : memref<320x1024xi32, #tpu.memory_space<hbm>> -> memref<12x1024xi32, #tpu.memory_space<hbm>>
        %dma_start3A_24 = arith.constant 0 : i32
        %dma_start3A_25 = arith.constant 0 : i32
        %dma_start3A_26 = tpu.memref_slice %arg7[%dma_start3A_24, %dma_start3A_25] : memref<12x1024xi32, #tpu.memory_space<vmem>> -> memref<12x1024xi32, #tpu.memory_space<vmem>>
        %dma_start3A_27 = arith.constant 0 : i32
        %dma_start3A_28 = tpu.memref_slice %arg3[%mul3A_14, %dma_start3A_27] : memref<320x1024xi32, #tpu.memory_space<hbm>> -> memref<12x1024xi32, #tpu.memory_space<hbm>>
        tpu.enqueue_dma source(%dma_start3A_28 : memref<12x1024xi32, #tpu.memory_space<hbm>>) target(%dma_start3A_26 : memref<12x1024xi32, #tpu.memory_space<vmem>>) target_semaphore(%run_scoped3A : memref<!tpu.dma_semaphore, #tpu.memory_space<semaphore_mem>>)
        %dma_wait3A = arith.constant 0 : i32
        %dma_wait3A_29 = arith.constant 0 : i32
        %dma_wait3A_30 = tpu.memref_slice %arg7[%dma_wait3A, %dma_wait3A_29] : memref<12x1024xi32, #tpu.memory_space<vmem>> -> memref<12x1024xi32, #tpu.memory_space<vmem>>
        %dma_wait3A_31 = arith.constant 0 : i32
        %dma_wait3A_32 = tpu.memref_slice %arg3[%mul3A_14, %dma_wait3A_31] : memref<320x1024xi32, #tpu.memory_space<hbm>> -> memref<12x1024xi32, #tpu.memory_space<hbm>>
        %dma_wait3A_33 = arith.constant 0 : i32
        %dma_wait3A_34 = arith.constant 0 : i32
        %dma_wait3A_35 = tpu.memref_slice %arg7[%dma_wait3A_33, %dma_wait3A_34] : memref<12x1024xi32, #tpu.memory_space<vmem>> -> memref<12x1024xi32, #tpu.memory_space<vmem>>
        %dma_wait3A_36 = arith.constant 0 : i32
        %dma_wait3A_37 = tpu.memref_slice %arg3[%mul3A_14, %dma_wait3A_36] : memref<320x1024xi32, #tpu.memory_space<hbm>> -> memref<12x1024xi32, #tpu.memory_space<hbm>>
        tpu.wait_dma2 semaphore(%run_scoped3A : memref<!tpu.dma_semaphore, #tpu.memory_space<semaphore_mem>>) src(%dma_wait3A_37 : memref<12x1024xi32, #tpu.memory_space<hbm>>) dst(%dma_wait3A_35 : memref<12x1024xi32, #tpu.memory_space<vmem>>)
        tpu.yield
      }) : () -> ()
      "tpu.region"() ({
        %run_scoped3A = tpu.sem_alloc : memref<!tpu.dma_semaphore, #tpu.memory_space<semaphore_mem>>
        %dma_start3A = arith.constant 0 : i32
        %dma_start3A_20 = arith.constant 0 : i32
        %dma_start3A_21 = tpu.memref_slice %arg8[%dma_start3A, %dma_start3A_20] : memref<12x1024xi32, #tpu.memory_space<vmem>> -> memref<12x1024xi32, #tpu.memory_space<vmem>>
        %dma_start3A_22 = arith.constant 0 : i32
        %dma_start3A_23 = tpu.memref_slice %arg4[%mul3A_14, %dma_start3A_22] : memref<320x1024xi32, #tpu.memory_space<hbm>> -> memref<12x1024xi32, #tpu.memory_space<hbm>>
        %dma_start3A_24 = arith.constant 0 : i32
        %dma_start3A_25 = arith.constant 0 : i32
        %dma_start3A_26 = tpu.memref_slice %arg8[%dma_start3A_24, %dma_start3A_25] : memref<12x1024xi32, #tpu.memory_space<vmem>> -> memref<12x1024xi32, #tpu.memory_space<vmem>>
        %dma_start3A_27 = arith.constant 0 : i32
        %dma_start3A_28 = tpu.memref_slice %arg4[%mul3A_14, %dma_start3A_27] : memref<320x1024xi32, #tpu.memory_space<hbm>> -> memref<12x1024xi32, #tpu.memory_space<hbm>>
        tpu.enqueue_dma source(%dma_start3A_28 : memref<12x1024xi32, #tpu.memory_space<hbm>>) target(%dma_start3A_26 : memref<12x1024xi32, #tpu.memory_space<vmem>>) target_semaphore(%run_scoped3A : memref<!tpu.dma_semaphore, #tpu.memory_space<semaphore_mem>>)
        %dma_wait3A = arith.constant 0 : i32
        %dma_wait3A_29 = arith.constant 0 : i32
        %dma_wait3A_30 = tpu.memref_slice %arg8[%dma_wait3A, %dma_wait3A_29] : memref<12x1024xi32, #tpu.memory_space<vmem>> -> memref<12x1024xi32, #tpu.memory_space<vmem>>
        %dma_wait3A_31 = arith.constant 0 : i32
        %dma_wait3A_32 = tpu.memref_slice %arg4[%mul3A_14, %dma_wait3A_31] : memref<320x1024xi32, #tpu.memory_space<hbm>> -> memref<12x1024xi32, #tpu.memory_space<hbm>>
        %dma_wait3A_33 = arith.constant 0 : i32
        %dma_wait3A_34 = arith.constant 0 : i32
        %dma_wait3A_35 = tpu.memref_slice %arg8[%dma_wait3A_33, %dma_wait3A_34] : memref<12x1024xi32, #tpu.memory_space<vmem>> -> memref<12x1024xi32, #tpu.memory_space<vmem>>
        %dma_wait3A_36 = arith.constant 0 : i32
        %dma_wait3A_37 = tpu.memref_slice %arg4[%mul3A_14, %dma_wait3A_36] : memref<320x1024xi32, #tpu.memory_space<hbm>> -> memref<12x1024xi32, #tpu.memory_space<hbm>>
        tpu.wait_dma2 semaphore(%run_scoped3A : memref<!tpu.dma_semaphore, #tpu.memory_space<semaphore_mem>>) src(%dma_wait3A_37 : memref<12x1024xi32, #tpu.memory_space<hbm>>) dst(%dma_wait3A_35 : memref<12x1024xi32, #tpu.memory_space<vmem>>)
        tpu.yield
      }) : () -> ()
      %scan3A = arith.constant 0 : i32
      %scan3A_15 = arith.constant 0 : i32
      %scan3A_16 = arith.constant 12 : i32
      %scan3A_17 = arith.addi %scan3A_15, %scan3A_16 : i32
      %scan3A_18 = arith.constant 1 : i32
      scf.for %scan3A_20 = %scan3A_15 to %scan3A_17 step %scan3A_18  : i32 {
        %dma_start3A = arith.constant 0 : i32
        %dma_start3A_21 = tpu.memref_slice %arg7[%scan3A_20, %dma_start3A] : memref<12x1024xi32, #tpu.memory_space<vmem>> -> memref<1x1024xi32, #tpu.memory_space<vmem>>
        %dma_start3A_22 = tpu.memref_squeeze %dma_start3A_21 : memref<1x1024xi32, #tpu.memory_space<vmem>> -> memref<1024xi32, #tpu.memory_space<vmem>>
        %dma_start3A_23 = arith.constant 0 : i32
        %dma_start3A_24 = arith.constant 0 : i32
        %dma_start3A_25 = tpu.memref_slice %arg12[%dma_start3A_23, %dma_start3A_24] : memref<10112x16xf32, #tpu.memory_space<vmem_shared>> -> memref<10112x16xf32, #tpu.memory_space<vmem_shared>>
        tpu.enqueue_indirect_dma source(%dma_start3A_25 : memref<10112x16xf32, #tpu.memory_space<vmem_shared>>) target(%arg9 : memref<1024x16xf32, #tpu.memory_space<vmem>>) offsets(%dma_start3A_22 : memref<1024xi32, #tpu.memory_space<vmem>>) semaphore(%arg13 : memref<!tpu.dma_semaphore, #tpu.memory_space<semaphore_mem>>)
        %dma_wait3A = arith.constant 0 : i32
        %dma_wait3A_26 = tpu.memref_slice %arg7[%scan3A_20, %dma_wait3A] : memref<12x1024xi32, #tpu.memory_space<vmem>> -> memref<1x1024xi32, #tpu.memory_space<vmem>>
        %dma_wait3A_27 = tpu.memref_squeeze %dma_wait3A_26 : memref<1x1024xi32, #tpu.memory_space<vmem>> -> memref<1024xi32, #tpu.memory_space<vmem>>
        %dma_wait3A_28 = arith.constant 0 : i32
        %dma_wait3A_29 = arith.constant 0 : i32
        %dma_wait3A_30 = tpu.memref_slice %arg12[%dma_wait3A_28, %dma_wait3A_29] : memref<10112x16xf32, #tpu.memory_space<vmem_shared>> -> memref<10112x16xf32, #tpu.memory_space<vmem_shared>>
        tpu.wait_indirect_dma semaphore(%arg13 : memref<!tpu.dma_semaphore, #tpu.memory_space<semaphore_mem>>) src(%dma_wait3A_30 : memref<10112x16xf32, #tpu.memory_space<vmem_shared>>) dst(%arg9 : memref<1024x16xf32, #tpu.memory_space<vmem>>)
        "tpu.region"() ({
          %run_scoped3A = tpu.sem_alloc : memref<!tpu.dma_semaphore, #tpu.memory_space<semaphore_mem>>
          %dma_start3A_31 = arith.constant 0 : i32
          %dma_start3A_32 = tpu.memref_slice %arg8[%scan3A_20, %dma_start3A_31] : memref<12x1024xi32, #tpu.memory_space<vmem>> -> memref<1x1024xi32, #tpu.memory_space<vmem>>
          %dma_start3A_33 = tpu.memref_squeeze %dma_start3A_32 : memref<1x1024xi32, #tpu.memory_space<vmem>> -> memref<1024xi32, #tpu.memory_space<vmem>>
          %dma_start3A_34 = arith.constant 0 : i32
          %dma_start3A_35 = arith.constant 0 : i32
          %dma_start3A_36 = tpu.memref_slice %arg11[%dma_start3A_34, %dma_start3A_35] : memref<10112x16xf32, #tpu.memory_space<vmem_shared>> -> memref<10112x16xf32, #tpu.memory_space<vmem_shared>>
          tpu.enqueue_indirect_dma source(%arg9 : memref<1024x16xf32, #tpu.memory_space<vmem>>) target(%dma_start3A_36 : memref<10112x16xf32, #tpu.memory_space<vmem_shared>>) offsets(%dma_start3A_33 : memref<1024xi32, #tpu.memory_space<vmem>>) semaphore(%run_scoped3A : memref<!tpu.dma_semaphore, #tpu.memory_space<semaphore_mem>>) {add = true}
          %dma_wait3A_37 = arith.constant 0 : i32
          %dma_wait3A_38 = tpu.memref_slice %arg8[%scan3A_20, %dma_wait3A_37] : memref<12x1024xi32, #tpu.memory_space<vmem>> -> memref<1x1024xi32, #tpu.memory_space<vmem>>
          %dma_wait3A_39 = tpu.memref_squeeze %dma_wait3A_38 : memref<1x1024xi32, #tpu.memory_space<vmem>> -> memref<1024xi32, #tpu.memory_space<vmem>>
          %dma_wait3A_40 = arith.constant 0 : i32
          %dma_wait3A_41 = arith.constant 0 : i32
          %dma_wait3A_42 = tpu.memref_slice %arg11[%dma_wait3A_40, %dma_wait3A_41] : memref<10112x16xf32, #tpu.memory_space<vmem_shared>> -> memref<10112x16xf32, #tpu.memory_space<vmem_shared>>
          tpu.wait_indirect_dma semaphore(%run_scoped3A : memref<!tpu.dma_semaphore, #tpu.memory_space<semaphore_mem>>) src(%arg9 : memref<1024x16xf32, #tpu.memory_space<vmem>>) dst(%dma_wait3A_42 : memref<10112x16xf32, #tpu.memory_space<vmem_shared>>)
          tpu.yield
        }) : () -> ()
      }
      %scan3A_19 = arith.constant 12 : i32
    } else {
    }
    %eq3A_3 = arith.constant 1 : i32
    %eq3A_4 = arith.cmpi eq, %arg0, %eq3A_3 : i32
    %convert_element_type3A_5 = arith.extui %eq3A_4 : i1 to i32
    %cond3A_6 = arith.constant 0 : i32
    %cond3A_7 = arith.cmpi ne, %convert_element_type3A_5, %cond3A_6 : i32
    scf.if %cond3A_7 {
      %mul3A_13 = arith.constant 8 : i32
      %mul3A_14 = arith.muli %arg1, %mul3A_13 : i32
      %add3A = arith.constant 192 : i32
      %add3A_15 = arith.addi %add3A, %mul3A_14 : i32
      "tpu.region"() ({
        %run_scoped3A = tpu.sem_alloc : memref<!tpu.dma_semaphore, #tpu.memory_space<semaphore_mem>>
        %dma_start3A = arith.constant 0 : i32
        %dma_start3A_21 = arith.constant 0 : i32
        %dma_start3A_22 = tpu.memref_slice %arg7[%dma_start3A, %dma_start3A_21] : memref<12x1024xi32, #tpu.memory_space<vmem>> -> memref<8x1024xi32, #tpu.memory_space<vmem>>
        %dma_start3A_23 = arith.constant 0 : i32
        %dma_start3A_24 = tpu.memref_slice %arg3[%add3A_15, %dma_start3A_23] : memref<320x1024xi32, #tpu.memory_space<hbm>> -> memref<8x1024xi32, #tpu.memory_space<hbm>>
        %dma_start3A_25 = arith.constant 0 : i32
        %dma_start3A_26 = arith.constant 0 : i32
        %dma_start3A_27 = tpu.memref_slice %arg7[%dma_start3A_25, %dma_start3A_26] : memref<12x1024xi32, #tpu.memory_space<vmem>> -> memref<8x1024xi32, #tpu.memory_space<vmem>>
        %dma_start3A_28 = arith.constant 0 : i32
        %dma_start3A_29 = tpu.memref_slice %arg3[%add3A_15, %dma_start3A_28] : memref<320x1024xi32, #tpu.memory_space<hbm>> -> memref<8x1024xi32, #tpu.memory_space<hbm>>
        tpu.enqueue_dma source(%dma_start3A_29 : memref<8x1024xi32, #tpu.memory_space<hbm>>) target(%dma_start3A_27 : memref<8x1024xi32, #tpu.memory_space<vmem>>) target_semaphore(%run_scoped3A : memref<!tpu.dma_semaphore, #tpu.memory_space<semaphore_mem>>)
        %dma_wait3A = arith.constant 0 : i32
        %dma_wait3A_30 = arith.constant 0 : i32
        %dma_wait3A_31 = tpu.memref_slice %arg7[%dma_wait3A, %dma_wait3A_30] : memref<12x1024xi32, #tpu.memory_space<vmem>> -> memref<8x1024xi32, #tpu.memory_space<vmem>>
        %dma_wait3A_32 = arith.constant 0 : i32
        %dma_wait3A_33 = tpu.memref_slice %arg3[%add3A_15, %dma_wait3A_32] : memref<320x1024xi32, #tpu.memory_space<hbm>> -> memref<8x1024xi32, #tpu.memory_space<hbm>>
        %dma_wait3A_34 = arith.constant 0 : i32
        %dma_wait3A_35 = arith.constant 0 : i32
        %dma_wait3A_36 = tpu.memref_slice %arg7[%dma_wait3A_34, %dma_wait3A_35] : memref<12x1024xi32, #tpu.memory_space<vmem>> -> memref<8x1024xi32, #tpu.memory_space<vmem>>
        %dma_wait3A_37 = arith.constant 0 : i32
        %dma_wait3A_38 = tpu.memref_slice %arg3[%add3A_15, %dma_wait3A_37] : memref<320x1024xi32, #tpu.memory_space<hbm>> -> memref<8x1024xi32, #tpu.memory_space<hbm>>
        tpu.wait_dma2 semaphore(%run_scoped3A : memref<!tpu.dma_semaphore, #tpu.memory_space<semaphore_mem>>) src(%dma_wait3A_38 : memref<8x1024xi32, #tpu.memory_space<hbm>>) dst(%dma_wait3A_36 : memref<8x1024xi32, #tpu.memory_space<vmem>>)
        tpu.yield
      }) : () -> ()
      "tpu.region"() ({
        %run_scoped3A = tpu.sem_alloc : memref<!tpu.dma_semaphore, #tpu.memory_space<semaphore_mem>>
        %dma_start3A = arith.constant 0 : i32
        %dma_start3A_21 = arith.constant 0 : i32
        %dma_start3A_22 = tpu.memref_slice %arg8[%dma_start3A, %dma_start3A_21] : memref<12x1024xi32, #tpu.memory_space<vmem>> -> memref<8x1024xi32, #tpu.memory_space<vmem>>
        %dma_start3A_23 = arith.constant 0 : i32
        %dma_start3A_24 = tpu.memref_slice %arg4[%add3A_15, %dma_start3A_23] : memref<320x1024xi32, #tpu.memory_space<hbm>> -> memref<8x1024xi32, #tpu.memory_space<hbm>>
        %dma_start3A_25 = arith.constant 0 : i32
        %dma_start3A_26 = arith.constant 0 : i32
        %dma_start3A_27 = tpu.memref_slice %arg8[%dma_start3A_25, %dma_start3A_26] : memref<12x1024xi32, #tpu.memory_space<vmem>> -> memref<8x1024xi32, #tpu.memory_space<vmem>>
        %dma_start3A_28 = arith.constant 0 : i32
        %dma_start3A_29 = tpu.memref_slice %arg4[%add3A_15, %dma_start3A_28] : memref<320x1024xi32, #tpu.memory_space<hbm>> -> memref<8x1024xi32, #tpu.memory_space<hbm>>
        tpu.enqueue_dma source(%dma_start3A_29 : memref<8x1024xi32, #tpu.memory_space<hbm>>) target(%dma_start3A_27 : memref<8x1024xi32, #tpu.memory_space<vmem>>) target_semaphore(%run_scoped3A : memref<!tpu.dma_semaphore, #tpu.memory_space<semaphore_mem>>)
        %dma_wait3A = arith.constant 0 : i32
        %dma_wait3A_30 = arith.constant 0 : i32
        %dma_wait3A_31 = tpu.memref_slice %arg8[%dma_wait3A, %dma_wait3A_30] : memref<12x1024xi32, #tpu.memory_space<vmem>> -> memref<8x1024xi32, #tpu.memory_space<vmem>>
        %dma_wait3A_32 = arith.constant 0 : i32
        %dma_wait3A_33 = tpu.memref_slice %arg4[%add3A_15, %dma_wait3A_32] : memref<320x1024xi32, #tpu.memory_space<hbm>> -> memref<8x1024xi32, #tpu.memory_space<hbm>>
        %dma_wait3A_34 = arith.constant 0 : i32
        %dma_wait3A_35 = arith.constant 0 : i32
        %dma_wait3A_36 = tpu.memref_slice %arg8[%dma_wait3A_34, %dma_wait3A_35] : memref<12x1024xi32, #tpu.memory_space<vmem>> -> memref<8x1024xi32, #tpu.memory_space<vmem>>
        %dma_wait3A_37 = arith.constant 0 : i32
        %dma_wait3A_38 = tpu.memref_slice %arg4[%add3A_15, %dma_wait3A_37] : memref<320x1024xi32, #tpu.memory_space<hbm>> -> memref<8x1024xi32, #tpu.memory_space<hbm>>
        tpu.wait_dma2 semaphore(%run_scoped3A : memref<!tpu.dma_semaphore, #tpu.memory_space<semaphore_mem>>) src(%dma_wait3A_38 : memref<8x1024xi32, #tpu.memory_space<hbm>>) dst(%dma_wait3A_36 : memref<8x1024xi32, #tpu.memory_space<vmem>>)
        tpu.yield
      }) : () -> ()
      %scan3A = arith.constant 0 : i32
      %scan3A_16 = arith.constant 0 : i32
      %scan3A_17 = arith.constant 8 : i32
      %scan3A_18 = arith.addi %scan3A_16, %scan3A_17 : i32
      %scan3A_19 = arith.constant 1 : i32
      scf.for %scan3A_21 = %scan3A_16 to %scan3A_18 step %scan3A_19  : i32 {
        %dma_start3A = arith.constant 0 : i32
        %dma_start3A_22 = tpu.memref_slice %arg7[%scan3A_21, %dma_start3A] : memref<12x1024xi32, #tpu.memory_space<vmem>> -> memref<1x1024xi32, #tpu.memory_space<vmem>>
        %dma_start3A_23 = tpu.memref_squeeze %dma_start3A_22 : memref<1x1024xi32, #tpu.memory_space<vmem>> -> memref<1024xi32, #tpu.memory_space<vmem>>
        %dma_start3A_24 = arith.constant 0 : i32
        %dma_start3A_25 = arith.constant 0 : i32
        %dma_start3A_26 = tpu.memref_slice %arg12[%dma_start3A_24, %dma_start3A_25] : memref<10112x16xf32, #tpu.memory_space<vmem_shared>> -> memref<10112x16xf32, #tpu.memory_space<vmem_shared>>
        tpu.enqueue_indirect_dma source(%dma_start3A_26 : memref<10112x16xf32, #tpu.memory_space<vmem_shared>>) target(%arg9 : memref<1024x16xf32, #tpu.memory_space<vmem>>) offsets(%dma_start3A_23 : memref<1024xi32, #tpu.memory_space<vmem>>) semaphore(%arg13 : memref<!tpu.dma_semaphore, #tpu.memory_space<semaphore_mem>>)
        %dma_wait3A = arith.constant 0 : i32
        %dma_wait3A_27 = tpu.memref_slice %arg7[%scan3A_21, %dma_wait3A] : memref<12x1024xi32, #tpu.memory_space<vmem>> -> memref<1x1024xi32, #tpu.memory_space<vmem>>
        %dma_wait3A_28 = tpu.memref_squeeze %dma_wait3A_27 : memref<1x1024xi32, #tpu.memory_space<vmem>> -> memref<1024xi32, #tpu.memory_space<vmem>>
        %dma_wait3A_29 = arith.constant 0 : i32
        %dma_wait3A_30 = arith.constant 0 : i32
        %dma_wait3A_31 = tpu.memref_slice %arg12[%dma_wait3A_29, %dma_wait3A_30] : memref<10112x16xf32, #tpu.memory_space<vmem_shared>> -> memref<10112x16xf32, #tpu.memory_space<vmem_shared>>
        tpu.wait_indirect_dma semaphore(%arg13 : memref<!tpu.dma_semaphore, #tpu.memory_space<semaphore_mem>>) src(%dma_wait3A_31 : memref<10112x16xf32, #tpu.memory_space<vmem_shared>>) dst(%arg9 : memref<1024x16xf32, #tpu.memory_space<vmem>>)
        "tpu.region"() ({
          %run_scoped3A = tpu.sem_alloc : memref<!tpu.dma_semaphore, #tpu.memory_space<semaphore_mem>>
          %dma_start3A_32 = arith.constant 0 : i32
          %dma_start3A_33 = tpu.memref_slice %arg8[%scan3A_21, %dma_start3A_32] : memref<12x1024xi32, #tpu.memory_space<vmem>> -> memref<1x1024xi32, #tpu.memory_space<vmem>>
          %dma_start3A_34 = tpu.memref_squeeze %dma_start3A_33 : memref<1x1024xi32, #tpu.memory_space<vmem>> -> memref<1024xi32, #tpu.memory_space<vmem>>
          %dma_start3A_35 = arith.constant 0 : i32
          %dma_start3A_36 = arith.constant 0 : i32
          %dma_start3A_37 = tpu.memref_slice %arg11[%dma_start3A_35, %dma_start3A_36] : memref<10112x16xf32, #tpu.memory_space<vmem_shared>> -> memref<10112x16xf32, #tpu.memory_space<vmem_shared>>
          tpu.enqueue_indirect_dma source(%arg9 : memref<1024x16xf32, #tpu.memory_space<vmem>>) target(%dma_start3A_37 : memref<10112x16xf32, #tpu.memory_space<vmem_shared>>) offsets(%dma_start3A_34 : memref<1024xi32, #tpu.memory_space<vmem>>) semaphore(%run_scoped3A : memref<!tpu.dma_semaphore, #tpu.memory_space<semaphore_mem>>) {add = true}
          %dma_wait3A_38 = arith.constant 0 : i32
          %dma_wait3A_39 = tpu.memref_slice %arg8[%scan3A_21, %dma_wait3A_38] : memref<12x1024xi32, #tpu.memory_space<vmem>> -> memref<1x1024xi32, #tpu.memory_space<vmem>>
          %dma_wait3A_40 = tpu.memref_squeeze %dma_wait3A_39 : memref<1x1024xi32, #tpu.memory_space<vmem>> -> memref<1024xi32, #tpu.memory_space<vmem>>
          %dma_wait3A_41 = arith.constant 0 : i32
          %dma_wait3A_42 = arith.constant 0 : i32
          %dma_wait3A_43 = tpu.memref_slice %arg11[%dma_wait3A_41, %dma_wait3A_42] : memref<10112x16xf32, #tpu.memory_space<vmem_shared>> -> memref<10112x16xf32, #tpu.memory_space<vmem_shared>>
          tpu.wait_indirect_dma semaphore(%run_scoped3A : memref<!tpu.dma_semaphore, #tpu.memory_space<semaphore_mem>>) src(%arg9 : memref<1024x16xf32, #tpu.memory_space<vmem>>) dst(%dma_wait3A_43 : memref<10112x16xf32, #tpu.memory_space<vmem_shared>>)
          tpu.yield
        }) : () -> ()
      }
      %scan3A_20 = arith.constant 8 : i32
    } else {
    }
    %barrier3A_8 = arith.constant 0 : index
    tpu.barrier barrier_id(%barrier3A_8)
    %mul3A_9 = arith.constant 632 : i32
    %mul3A_10 = arith.muli %arg1, %mul3A_9 : i32
    "tpu.region"() ({
      %run_scoped3A = tpu.sem_alloc : memref<!tpu.dma_semaphore, #tpu.memory_space<semaphore_mem>>
      %dma_start3A = arith.constant 0 : i32
      %dma_start3A_13 = tpu.memref_slice %arg11[%mul3A_10, %dma_start3A] : memref<10112x16xf32, #tpu.memory_space<vmem_shared>> -> memref<632x16xf32, #tpu.memory_space<vmem_shared>>
      %dma_start3A_14 = arith.constant 0 : i32
      %dma_start3A_15 = tpu.memref_slice %arg11[%mul3A_10, %dma_start3A_14] : memref<10112x16xf32, #tpu.memory_space<vmem_shared>> -> memref<632x16xf32, #tpu.memory_space<vmem_shared>>
      tpu.enqueue_dma source(%dma_start3A_15 : memref<632x16xf32, #tpu.memory_space<vmem_shared>>) target(%arg10 : memref<632x16xf32, #tpu.memory_space<vmem>>) target_semaphore(%run_scoped3A : memref<!tpu.dma_semaphore, #tpu.memory_space<semaphore_mem>>)
      %dma_wait3A = arith.constant 0 : i32
      %dma_wait3A_16 = tpu.memref_slice %arg11[%mul3A_10, %dma_wait3A] : memref<10112x16xf32, #tpu.memory_space<vmem_shared>> -> memref<632x16xf32, #tpu.memory_space<vmem_shared>>
      %dma_wait3A_17 = arith.constant 0 : i32
      %dma_wait3A_18 = tpu.memref_slice %arg11[%mul3A_10, %dma_wait3A_17] : memref<10112x16xf32, #tpu.memory_space<vmem_shared>> -> memref<632x16xf32, #tpu.memory_space<vmem_shared>>
      tpu.wait_dma2 semaphore(%run_scoped3A : memref<!tpu.dma_semaphore, #tpu.memory_space<semaphore_mem>>) src(%dma_wait3A_18 : memref<632x16xf32, #tpu.memory_space<vmem_shared>>) dst(%arg10 : memref<632x16xf32, #tpu.memory_space<vmem>>)
      tpu.yield
    }) : () -> ()
    %mul3A_11 = arith.constant 632 : i32
    %mul3A_12 = arith.muli %arg1, %mul3A_11 : i32
    "tpu.region"() ({
      %run_scoped3A = tpu.sem_alloc : memref<!tpu.dma_semaphore, #tpu.memory_space<semaphore_mem>>
      %dma_start3A = arith.constant 0 : i32
      %dma_start3A_13 = tpu.memref_slice %arg6[%arg0, %mul3A_12, %dma_start3A] : memref<2x10112x16xf32, #tpu.memory_space<hbm>> -> memref<1x632x16xf32, #tpu.memory_space<hbm>>
      %dma_start3A_14 = tpu.memref_squeeze %dma_start3A_13 : memref<1x632x16xf32, #tpu.memory_space<hbm>> -> memref<632x16xf32, #tpu.memory_space<hbm>>
      %dma_start3A_15 = arith.constant 0 : i32
      %dma_start3A_16 = tpu.memref_slice %arg6[%arg0, %mul3A_12, %dma_start3A_15] : memref<2x10112x16xf32, #tpu.memory_space<hbm>> -> memref<1x632x16xf32, #tpu.memory_space<hbm>>
      %dma_start3A_17 = tpu.memref_squeeze %dma_start3A_16 : memref<1x632x16xf32, #tpu.memory_space<hbm>> -> memref<632x16xf32, #tpu.memory_space<hbm>>
      tpu.enqueue_dma source(%arg10 : memref<632x16xf32, #tpu.memory_space<vmem>>) target(%dma_start3A_17 : memref<632x16xf32, #tpu.memory_space<hbm>>) target_semaphore(%run_scoped3A : memref<!tpu.dma_semaphore, #tpu.memory_space<semaphore_mem>>)
      %dma_wait3A = arith.constant 0 : i32
      %dma_wait3A_18 = tpu.memref_slice %arg6[%arg0, %mul3A_12, %dma_wait3A] : memref<2x10112x16xf32, #tpu.memory_space<hbm>> -> memref<1x632x16xf32, #tpu.memory_space<hbm>>
      %dma_wait3A_19 = tpu.memref_squeeze %dma_wait3A_18 : memref<1x632x16xf32, #tpu.memory_space<hbm>> -> memref<632x16xf32, #tpu.memory_space<hbm>>
      %dma_wait3A_20 = arith.constant 0 : i32
      %dma_wait3A_21 = tpu.memref_slice %arg6[%arg0, %mul3A_12, %dma_wait3A_20] : memref<2x10112x16xf32, #tpu.memory_space<hbm>> -> memref<1x632x16xf32, #tpu.memory_space<hbm>>
      %dma_wait3A_22 = tpu.memref_squeeze %dma_wait3A_21 : memref<1x632x16xf32, #tpu.memory_space<hbm>> -> memref<632x16xf32, #tpu.memory_space<hbm>>
      tpu.wait_dma2 semaphore(%run_scoped3A : memref<!tpu.dma_semaphore, #tpu.memory_space<semaphore_mem>>) src(%arg10 : memref<632x16xf32, #tpu.memory_space<vmem>>) dst(%dma_wait3A_22 : memref<632x16xf32, #tpu.memory_space<hbm>>)
      tpu.yield
    }) : () -> ()
    return
  }
}

#map = affine_map<(d0, d1) -> (0, 0)>
#map1 = affine_map<(d0, d1) -> (0, 0, 0)>
module attributes {stable_mosaic.version = 14 : i64} {
  func.func @sc_scatter(%arg0: i32, %arg1: i32, %arg2: memref<10112x32xf32, #tpu.memory_space<hbm>>, %arg3: memref<320x1024xi32, #tpu.memory_space<hbm>>, %arg4: memref<320x1024xi32, #tpu.memory_space<hbm>>, %arg5: memref<632x32xf32, #tpu.memory_space<hbm>>, %arg6: memref<2x10112x32xf32, #tpu.memory_space<hbm>>, %arg7: memref<12x1024xi32, #tpu.memory_space<vmem>>, %arg8: memref<12x1024xi32, #tpu.memory_space<vmem>>, %arg9: memref<1024x32xf32, #tpu.memory_space<vmem>>, %arg10: memref<632x32xf32, #tpu.memory_space<vmem>>, %arg11: memref<10112x32xf32, #tpu.memory_space<vmem_shared>>, %arg12: memref<10112x32xf32, #tpu.memory_space<vmem_shared>>, %arg13: memref<!tpu.dma_semaphore, #tpu.memory_space<semaphore_mem>>) attributes {dimension_semantics = [#tpu.dimension_semantics<core_parallel>, #tpu.dimension_semantics<subcore_parallel>], iteration_bounds = array<i64: 2, 16>, scalar_prefetch = 0 : i64, scratch_operands = 7 : i64, tpu.core_type = #tpu.core_type<sc_vector_subcore>, window_params = [{transform_indices = #map}, {transform_indices = #map}, {transform_indices = #map}, {transform_indices = #map}, {transform_indices = #map1}]} {
    %mul3A = arith.constant 632 : i32
    %mul3A_0 = arith.muli %arg1, %mul3A : i32
    "tpu.region"() ({
      %run_scoped3A = tpu.sem_alloc : memref<!tpu.dma_semaphore, #tpu.memory_space<semaphore_mem>>
      %dma_start3A = arith.constant 0 : i32
      %dma_start3A_13 = tpu.memref_slice %arg2[%mul3A_0, %dma_start3A] : memref<10112x32xf32, #tpu.memory_space<hbm>> -> memref<632x32xf32, #tpu.memory_space<hbm>>
      %dma_start3A_14 = arith.constant 0 : i32
      %dma_start3A_15 = tpu.memref_slice %arg2[%mul3A_0, %dma_start3A_14] : memref<10112x32xf32, #tpu.memory_space<hbm>> -> memref<632x32xf32, #tpu.memory_space<hbm>>
      tpu.enqueue_dma source(%dma_start3A_15 : memref<632x32xf32, #tpu.memory_space<hbm>>) target(%arg10 : memref<632x32xf32, #tpu.memory_space<vmem>>) target_semaphore(%run_scoped3A : memref<!tpu.dma_semaphore, #tpu.memory_space<semaphore_mem>>)
      %dma_wait3A = arith.constant 0 : i32
      %dma_wait3A_16 = tpu.memref_slice %arg2[%mul3A_0, %dma_wait3A] : memref<10112x32xf32, #tpu.memory_space<hbm>> -> memref<632x32xf32, #tpu.memory_space<hbm>>
      %dma_wait3A_17 = arith.constant 0 : i32
      %dma_wait3A_18 = tpu.memref_slice %arg2[%mul3A_0, %dma_wait3A_17] : memref<10112x32xf32, #tpu.memory_space<hbm>> -> memref<632x32xf32, #tpu.memory_space<hbm>>
      tpu.wait_dma2 semaphore(%run_scoped3A : memref<!tpu.dma_semaphore, #tpu.memory_space<semaphore_mem>>) src(%dma_wait3A_18 : memref<632x32xf32, #tpu.memory_space<hbm>>) dst(%arg10 : memref<632x32xf32, #tpu.memory_space<vmem>>)
      tpu.yield
    }) : () -> ()
    "tpu.region"() ({
      %run_scoped3A = tpu.sem_alloc : memref<!tpu.dma_semaphore, #tpu.memory_space<semaphore_mem>>
      %dma_start3A = arith.constant 0 : i32
      %dma_start3A_13 = tpu.memref_slice %arg12[%mul3A_0, %dma_start3A] : memref<10112x32xf32, #tpu.memory_space<vmem_shared>> -> memref<632x32xf32, #tpu.memory_space<vmem_shared>>
      %dma_start3A_14 = arith.constant 0 : i32
      %dma_start3A_15 = tpu.memref_slice %arg12[%mul3A_0, %dma_start3A_14] : memref<10112x32xf32, #tpu.memory_space<vmem_shared>> -> memref<632x32xf32, #tpu.memory_space<vmem_shared>>
      tpu.enqueue_dma source(%arg10 : memref<632x32xf32, #tpu.memory_space<vmem>>) target(%dma_start3A_15 : memref<632x32xf32, #tpu.memory_space<vmem_shared>>) target_semaphore(%run_scoped3A : memref<!tpu.dma_semaphore, #tpu.memory_space<semaphore_mem>>)
      %dma_wait3A = arith.constant 0 : i32
      %dma_wait3A_16 = tpu.memref_slice %arg12[%mul3A_0, %dma_wait3A] : memref<10112x32xf32, #tpu.memory_space<vmem_shared>> -> memref<632x32xf32, #tpu.memory_space<vmem_shared>>
      %dma_wait3A_17 = arith.constant 0 : i32
      %dma_wait3A_18 = tpu.memref_slice %arg12[%mul3A_0, %dma_wait3A_17] : memref<10112x32xf32, #tpu.memory_space<vmem_shared>> -> memref<632x32xf32, #tpu.memory_space<vmem_shared>>
      tpu.wait_dma2 semaphore(%run_scoped3A : memref<!tpu.dma_semaphore, #tpu.memory_space<semaphore_mem>>) src(%arg10 : memref<632x32xf32, #tpu.memory_space<vmem>>) dst(%dma_wait3A_18 : memref<632x32xf32, #tpu.memory_space<vmem_shared>>)
      tpu.yield
    }) : () -> ()
    "tpu.region"() ({
      %run_scoped3A = tpu.sem_alloc : memref<!tpu.dma_semaphore, #tpu.memory_space<semaphore_mem>>
      tpu.enqueue_dma source(%arg5 : memref<632x32xf32, #tpu.memory_space<hbm>>) target(%arg10 : memref<632x32xf32, #tpu.memory_space<vmem>>) target_semaphore(%run_scoped3A : memref<!tpu.dma_semaphore, #tpu.memory_space<semaphore_mem>>)
      tpu.wait_dma2 semaphore(%run_scoped3A : memref<!tpu.dma_semaphore, #tpu.memory_space<semaphore_mem>>) src(%arg5 : memref<632x32xf32, #tpu.memory_space<hbm>>) dst(%arg10 : memref<632x32xf32, #tpu.memory_space<vmem>>)
      tpu.yield
    }) : () -> ()
    "tpu.region"() ({
      %run_scoped3A = tpu.sem_alloc : memref<!tpu.dma_semaphore, #tpu.memory_space<semaphore_mem>>
      %dma_start3A = arith.constant 0 : i32
      %dma_start3A_13 = tpu.memref_slice %arg11[%mul3A_0, %dma_start3A] : memref<10112x32xf32, #tpu.memory_space<vmem_shared>> -> memref<632x32xf32, #tpu.memory_space<vmem_shared>>
      %dma_start3A_14 = arith.constant 0 : i32
      %dma_start3A_15 = tpu.memref_slice %arg11[%mul3A_0, %dma_start3A_14] : memref<10112x32xf32, #tpu.memory_space<vmem_shared>> -> memref<632x32xf32, #tpu.memory_space<vmem_shared>>
      tpu.enqueue_dma source(%arg10 : memref<632x32xf32, #tpu.memory_space<vmem>>) target(%dma_start3A_15 : memref<632x32xf32, #tpu.memory_space<vmem_shared>>) target_semaphore(%run_scoped3A : memref<!tpu.dma_semaphore, #tpu.memory_space<semaphore_mem>>)
      %dma_wait3A = arith.constant 0 : i32
      %dma_wait3A_16 = tpu.memref_slice %arg11[%mul3A_0, %dma_wait3A] : memref<10112x32xf32, #tpu.memory_space<vmem_shared>> -> memref<632x32xf32, #tpu.memory_space<vmem_shared>>
      %dma_wait3A_17 = arith.constant 0 : i32
      %dma_wait3A_18 = tpu.memref_slice %arg11[%mul3A_0, %dma_wait3A_17] : memref<10112x32xf32, #tpu.memory_space<vmem_shared>> -> memref<632x32xf32, #tpu.memory_space<vmem_shared>>
      tpu.wait_dma2 semaphore(%run_scoped3A : memref<!tpu.dma_semaphore, #tpu.memory_space<semaphore_mem>>) src(%arg10 : memref<632x32xf32, #tpu.memory_space<vmem>>) dst(%dma_wait3A_18 : memref<632x32xf32, #tpu.memory_space<vmem_shared>>)
      tpu.yield
    }) : () -> ()
    %barrier3A = arith.constant 0 : index
    tpu.barrier barrier_id(%barrier3A)
    %eq3A = arith.constant 0 : i32
    %eq3A_1 = arith.cmpi eq, %arg0, %eq3A : i32
    %convert_element_type3A = arith.extui %eq3A_1 : i1 to i32
    %cond3A = arith.constant 0 : i32
    %cond3A_2 = arith.cmpi ne, %convert_element_type3A, %cond3A : i32
    scf.if %cond3A_2 {
      %mul3A_13 = arith.constant 12 : i32
      %mul3A_14 = arith.muli %arg1, %mul3A_13 : i32
      "tpu.region"() ({
        %run_scoped3A = tpu.sem_alloc : memref<!tpu.dma_semaphore, #tpu.memory_space<semaphore_mem>>
        %dma_start3A = arith.constant 0 : i32
        %dma_start3A_20 = arith.constant 0 : i32
        %dma_start3A_21 = tpu.memref_slice %arg7[%dma_start3A, %dma_start3A_20] : memref<12x1024xi32, #tpu.memory_space<vmem>> -> memref<12x1024xi32, #tpu.memory_space<vmem>>
        %dma_start3A_22 = arith.constant 0 : i32
        %dma_start3A_23 = tpu.memref_slice %arg3[%mul3A_14, %dma_start3A_22] : memref<320x1024xi32, #tpu.memory_space<hbm>> -> memref<12x1024xi32, #tpu.memory_space<hbm>>
        %dma_start3A_24 = arith.constant 0 : i32
        %dma_start3A_25 = arith.constant 0 : i32
        %dma_start3A_26 = tpu.memref_slice %arg7[%dma_start3A_24, %dma_start3A_25] : memref<12x1024xi32, #tpu.memory_space<vmem>> -> memref<12x1024xi32, #tpu.memory_space<vmem>>
        %dma_start3A_27 = arith.constant 0 : i32
        %dma_start3A_28 = tpu.memref_slice %arg3[%mul3A_14, %dma_start3A_27] : memref<320x1024xi32, #tpu.memory_space<hbm>> -> memref<12x1024xi32, #tpu.memory_space<hbm>>
        tpu.enqueue_dma source(%dma_start3A_28 : memref<12x1024xi32, #tpu.memory_space<hbm>>) target(%dma_start3A_26 : memref<12x1024xi32, #tpu.memory_space<vmem>>) target_semaphore(%run_scoped3A : memref<!tpu.dma_semaphore, #tpu.memory_space<semaphore_mem>>)
        %dma_wait3A = arith.constant 0 : i32
        %dma_wait3A_29 = arith.constant 0 : i32
        %dma_wait3A_30 = tpu.memref_slice %arg7[%dma_wait3A, %dma_wait3A_29] : memref<12x1024xi32, #tpu.memory_space<vmem>> -> memref<12x1024xi32, #tpu.memory_space<vmem>>
        %dma_wait3A_31 = arith.constant 0 : i32
        %dma_wait3A_32 = tpu.memref_slice %arg3[%mul3A_14, %dma_wait3A_31] : memref<320x1024xi32, #tpu.memory_space<hbm>> -> memref<12x1024xi32, #tpu.memory_space<hbm>>
        %dma_wait3A_33 = arith.constant 0 : i32
        %dma_wait3A_34 = arith.constant 0 : i32
        %dma_wait3A_35 = tpu.memref_slice %arg7[%dma_wait3A_33, %dma_wait3A_34] : memref<12x1024xi32, #tpu.memory_space<vmem>> -> memref<12x1024xi32, #tpu.memory_space<vmem>>
        %dma_wait3A_36 = arith.constant 0 : i32
        %dma_wait3A_37 = tpu.memref_slice %arg3[%mul3A_14, %dma_wait3A_36] : memref<320x1024xi32, #tpu.memory_space<hbm>> -> memref<12x1024xi32, #tpu.memory_space<hbm>>
        tpu.wait_dma2 semaphore(%run_scoped3A : memref<!tpu.dma_semaphore, #tpu.memory_space<semaphore_mem>>) src(%dma_wait3A_37 : memref<12x1024xi32, #tpu.memory_space<hbm>>) dst(%dma_wait3A_35 : memref<12x1024xi32, #tpu.memory_space<vmem>>)
        tpu.yield
      }) : () -> ()
      "tpu.region"() ({
        %run_scoped3A = tpu.sem_alloc : memref<!tpu.dma_semaphore, #tpu.memory_space<semaphore_mem>>
        %dma_start3A = arith.constant 0 : i32
        %dma_start3A_20 = arith.constant 0 : i32
        %dma_start3A_21 = tpu.memref_slice %arg8[%dma_start3A, %dma_start3A_20] : memref<12x1024xi32, #tpu.memory_space<vmem>> -> memref<12x1024xi32, #tpu.memory_space<vmem>>
        %dma_start3A_22 = arith.constant 0 : i32
        %dma_start3A_23 = tpu.memref_slice %arg4[%mul3A_14, %dma_start3A_22] : memref<320x1024xi32, #tpu.memory_space<hbm>> -> memref<12x1024xi32, #tpu.memory_space<hbm>>
        %dma_start3A_24 = arith.constant 0 : i32
        %dma_start3A_25 = arith.constant 0 : i32
        %dma_start3A_26 = tpu.memref_slice %arg8[%dma_start3A_24, %dma_start3A_25] : memref<12x1024xi32, #tpu.memory_space<vmem>> -> memref<12x1024xi32, #tpu.memory_space<vmem>>
        %dma_start3A_27 = arith.constant 0 : i32
        %dma_start3A_28 = tpu.memref_slice %arg4[%mul3A_14, %dma_start3A_27] : memref<320x1024xi32, #tpu.memory_space<hbm>> -> memref<12x1024xi32, #tpu.memory_space<hbm>>
        tpu.enqueue_dma source(%dma_start3A_28 : memref<12x1024xi32, #tpu.memory_space<hbm>>) target(%dma_start3A_26 : memref<12x1024xi32, #tpu.memory_space<vmem>>) target_semaphore(%run_scoped3A : memref<!tpu.dma_semaphore, #tpu.memory_space<semaphore_mem>>)
        %dma_wait3A = arith.constant 0 : i32
        %dma_wait3A_29 = arith.constant 0 : i32
        %dma_wait3A_30 = tpu.memref_slice %arg8[%dma_wait3A, %dma_wait3A_29] : memref<12x1024xi32, #tpu.memory_space<vmem>> -> memref<12x1024xi32, #tpu.memory_space<vmem>>
        %dma_wait3A_31 = arith.constant 0 : i32
        %dma_wait3A_32 = tpu.memref_slice %arg4[%mul3A_14, %dma_wait3A_31] : memref<320x1024xi32, #tpu.memory_space<hbm>> -> memref<12x1024xi32, #tpu.memory_space<hbm>>
        %dma_wait3A_33 = arith.constant 0 : i32
        %dma_wait3A_34 = arith.constant 0 : i32
        %dma_wait3A_35 = tpu.memref_slice %arg8[%dma_wait3A_33, %dma_wait3A_34] : memref<12x1024xi32, #tpu.memory_space<vmem>> -> memref<12x1024xi32, #tpu.memory_space<vmem>>
        %dma_wait3A_36 = arith.constant 0 : i32
        %dma_wait3A_37 = tpu.memref_slice %arg4[%mul3A_14, %dma_wait3A_36] : memref<320x1024xi32, #tpu.memory_space<hbm>> -> memref<12x1024xi32, #tpu.memory_space<hbm>>
        tpu.wait_dma2 semaphore(%run_scoped3A : memref<!tpu.dma_semaphore, #tpu.memory_space<semaphore_mem>>) src(%dma_wait3A_37 : memref<12x1024xi32, #tpu.memory_space<hbm>>) dst(%dma_wait3A_35 : memref<12x1024xi32, #tpu.memory_space<vmem>>)
        tpu.yield
      }) : () -> ()
      %scan3A = arith.constant 0 : i32
      %scan3A_15 = arith.constant 0 : i32
      %scan3A_16 = arith.constant 12 : i32
      %scan3A_17 = arith.addi %scan3A_15, %scan3A_16 : i32
      %scan3A_18 = arith.constant 1 : i32
      scf.for %scan3A_20 = %scan3A_15 to %scan3A_17 step %scan3A_18  : i32 {
        %dma_start3A = arith.constant 0 : i32
        %dma_start3A_21 = tpu.memref_slice %arg7[%scan3A_20, %dma_start3A] : memref<12x1024xi32, #tpu.memory_space<vmem>> -> memref<1x1024xi32, #tpu.memory_space<vmem>>
        %dma_start3A_22 = tpu.memref_squeeze %dma_start3A_21 : memref<1x1024xi32, #tpu.memory_space<vmem>> -> memref<1024xi32, #tpu.memory_space<vmem>>
        %dma_start3A_23 = arith.constant 0 : i32
        %dma_start3A_24 = arith.constant 0 : i32
        %dma_start3A_25 = tpu.memref_slice %arg12[%dma_start3A_23, %dma_start3A_24] : memref<10112x32xf32, #tpu.memory_space<vmem_shared>> -> memref<10112x32xf32, #tpu.memory_space<vmem_shared>>
        tpu.enqueue_indirect_dma source(%dma_start3A_25 : memref<10112x32xf32, #tpu.memory_space<vmem_shared>>) target(%arg9 : memref<1024x32xf32, #tpu.memory_space<vmem>>) offsets(%dma_start3A_22 : memref<1024xi32, #tpu.memory_space<vmem>>) semaphore(%arg13 : memref<!tpu.dma_semaphore, #tpu.memory_space<semaphore_mem>>)
        %dma_wait3A = arith.constant 0 : i32
        %dma_wait3A_26 = tpu.memref_slice %arg7[%scan3A_20, %dma_wait3A] : memref<12x1024xi32, #tpu.memory_space<vmem>> -> memref<1x1024xi32, #tpu.memory_space<vmem>>
        %dma_wait3A_27 = tpu.memref_squeeze %dma_wait3A_26 : memref<1x1024xi32, #tpu.memory_space<vmem>> -> memref<1024xi32, #tpu.memory_space<vmem>>
        %dma_wait3A_28 = arith.constant 0 : i32
        %dma_wait3A_29 = arith.constant 0 : i32
        %dma_wait3A_30 = tpu.memref_slice %arg12[%dma_wait3A_28, %dma_wait3A_29] : memref<10112x32xf32, #tpu.memory_space<vmem_shared>> -> memref<10112x32xf32, #tpu.memory_space<vmem_shared>>
        tpu.wait_indirect_dma semaphore(%arg13 : memref<!tpu.dma_semaphore, #tpu.memory_space<semaphore_mem>>) src(%dma_wait3A_30 : memref<10112x32xf32, #tpu.memory_space<vmem_shared>>) dst(%arg9 : memref<1024x32xf32, #tpu.memory_space<vmem>>)
        "tpu.region"() ({
          %run_scoped3A = tpu.sem_alloc : memref<!tpu.dma_semaphore, #tpu.memory_space<semaphore_mem>>
          %dma_start3A_31 = arith.constant 0 : i32
          %dma_start3A_32 = tpu.memref_slice %arg8[%scan3A_20, %dma_start3A_31] : memref<12x1024xi32, #tpu.memory_space<vmem>> -> memref<1x1024xi32, #tpu.memory_space<vmem>>
          %dma_start3A_33 = tpu.memref_squeeze %dma_start3A_32 : memref<1x1024xi32, #tpu.memory_space<vmem>> -> memref<1024xi32, #tpu.memory_space<vmem>>
          %dma_start3A_34 = arith.constant 0 : i32
          %dma_start3A_35 = arith.constant 0 : i32
          %dma_start3A_36 = tpu.memref_slice %arg11[%dma_start3A_34, %dma_start3A_35] : memref<10112x32xf32, #tpu.memory_space<vmem_shared>> -> memref<10112x32xf32, #tpu.memory_space<vmem_shared>>
          tpu.enqueue_indirect_dma source(%arg9 : memref<1024x32xf32, #tpu.memory_space<vmem>>) target(%dma_start3A_36 : memref<10112x32xf32, #tpu.memory_space<vmem_shared>>) offsets(%dma_start3A_33 : memref<1024xi32, #tpu.memory_space<vmem>>) semaphore(%run_scoped3A : memref<!tpu.dma_semaphore, #tpu.memory_space<semaphore_mem>>) {add = true}
          %dma_wait3A_37 = arith.constant 0 : i32
          %dma_wait3A_38 = tpu.memref_slice %arg8[%scan3A_20, %dma_wait3A_37] : memref<12x1024xi32, #tpu.memory_space<vmem>> -> memref<1x1024xi32, #tpu.memory_space<vmem>>
          %dma_wait3A_39 = tpu.memref_squeeze %dma_wait3A_38 : memref<1x1024xi32, #tpu.memory_space<vmem>> -> memref<1024xi32, #tpu.memory_space<vmem>>
          %dma_wait3A_40 = arith.constant 0 : i32
          %dma_wait3A_41 = arith.constant 0 : i32
          %dma_wait3A_42 = tpu.memref_slice %arg11[%dma_wait3A_40, %dma_wait3A_41] : memref<10112x32xf32, #tpu.memory_space<vmem_shared>> -> memref<10112x32xf32, #tpu.memory_space<vmem_shared>>
          tpu.wait_indirect_dma semaphore(%run_scoped3A : memref<!tpu.dma_semaphore, #tpu.memory_space<semaphore_mem>>) src(%arg9 : memref<1024x32xf32, #tpu.memory_space<vmem>>) dst(%dma_wait3A_42 : memref<10112x32xf32, #tpu.memory_space<vmem_shared>>)
          tpu.yield
        }) : () -> ()
      }
      %scan3A_19 = arith.constant 12 : i32
    } else {
    }
    %eq3A_3 = arith.constant 1 : i32
    %eq3A_4 = arith.cmpi eq, %arg0, %eq3A_3 : i32
    %convert_element_type3A_5 = arith.extui %eq3A_4 : i1 to i32
    %cond3A_6 = arith.constant 0 : i32
    %cond3A_7 = arith.cmpi ne, %convert_element_type3A_5, %cond3A_6 : i32
    scf.if %cond3A_7 {
      %mul3A_13 = arith.constant 8 : i32
      %mul3A_14 = arith.muli %arg1, %mul3A_13 : i32
      %add3A = arith.constant 192 : i32
      %add3A_15 = arith.addi %add3A, %mul3A_14 : i32
      "tpu.region"() ({
        %run_scoped3A = tpu.sem_alloc : memref<!tpu.dma_semaphore, #tpu.memory_space<semaphore_mem>>
        %dma_start3A = arith.constant 0 : i32
        %dma_start3A_21 = arith.constant 0 : i32
        %dma_start3A_22 = tpu.memref_slice %arg7[%dma_start3A, %dma_start3A_21] : memref<12x1024xi32, #tpu.memory_space<vmem>> -> memref<8x1024xi32, #tpu.memory_space<vmem>>
        %dma_start3A_23 = arith.constant 0 : i32
        %dma_start3A_24 = tpu.memref_slice %arg3[%add3A_15, %dma_start3A_23] : memref<320x1024xi32, #tpu.memory_space<hbm>> -> memref<8x1024xi32, #tpu.memory_space<hbm>>
        %dma_start3A_25 = arith.constant 0 : i32
        %dma_start3A_26 = arith.constant 0 : i32
        %dma_start3A_27 = tpu.memref_slice %arg7[%dma_start3A_25, %dma_start3A_26] : memref<12x1024xi32, #tpu.memory_space<vmem>> -> memref<8x1024xi32, #tpu.memory_space<vmem>>
        %dma_start3A_28 = arith.constant 0 : i32
        %dma_start3A_29 = tpu.memref_slice %arg3[%add3A_15, %dma_start3A_28] : memref<320x1024xi32, #tpu.memory_space<hbm>> -> memref<8x1024xi32, #tpu.memory_space<hbm>>
        tpu.enqueue_dma source(%dma_start3A_29 : memref<8x1024xi32, #tpu.memory_space<hbm>>) target(%dma_start3A_27 : memref<8x1024xi32, #tpu.memory_space<vmem>>) target_semaphore(%run_scoped3A : memref<!tpu.dma_semaphore, #tpu.memory_space<semaphore_mem>>)
        %dma_wait3A = arith.constant 0 : i32
        %dma_wait3A_30 = arith.constant 0 : i32
        %dma_wait3A_31 = tpu.memref_slice %arg7[%dma_wait3A, %dma_wait3A_30] : memref<12x1024xi32, #tpu.memory_space<vmem>> -> memref<8x1024xi32, #tpu.memory_space<vmem>>
        %dma_wait3A_32 = arith.constant 0 : i32
        %dma_wait3A_33 = tpu.memref_slice %arg3[%add3A_15, %dma_wait3A_32] : memref<320x1024xi32, #tpu.memory_space<hbm>> -> memref<8x1024xi32, #tpu.memory_space<hbm>>
        %dma_wait3A_34 = arith.constant 0 : i32
        %dma_wait3A_35 = arith.constant 0 : i32
        %dma_wait3A_36 = tpu.memref_slice %arg7[%dma_wait3A_34, %dma_wait3A_35] : memref<12x1024xi32, #tpu.memory_space<vmem>> -> memref<8x1024xi32, #tpu.memory_space<vmem>>
        %dma_wait3A_37 = arith.constant 0 : i32
        %dma_wait3A_38 = tpu.memref_slice %arg3[%add3A_15, %dma_wait3A_37] : memref<320x1024xi32, #tpu.memory_space<hbm>> -> memref<8x1024xi32, #tpu.memory_space<hbm>>
        tpu.wait_dma2 semaphore(%run_scoped3A : memref<!tpu.dma_semaphore, #tpu.memory_space<semaphore_mem>>) src(%dma_wait3A_38 : memref<8x1024xi32, #tpu.memory_space<hbm>>) dst(%dma_wait3A_36 : memref<8x1024xi32, #tpu.memory_space<vmem>>)
        tpu.yield
      }) : () -> ()
      "tpu.region"() ({
        %run_scoped3A = tpu.sem_alloc : memref<!tpu.dma_semaphore, #tpu.memory_space<semaphore_mem>>
        %dma_start3A = arith.constant 0 : i32
        %dma_start3A_21 = arith.constant 0 : i32
        %dma_start3A_22 = tpu.memref_slice %arg8[%dma_start3A, %dma_start3A_21] : memref<12x1024xi32, #tpu.memory_space<vmem>> -> memref<8x1024xi32, #tpu.memory_space<vmem>>
        %dma_start3A_23 = arith.constant 0 : i32
        %dma_start3A_24 = tpu.memref_slice %arg4[%add3A_15, %dma_start3A_23] : memref<320x1024xi32, #tpu.memory_space<hbm>> -> memref<8x1024xi32, #tpu.memory_space<hbm>>
        %dma_start3A_25 = arith.constant 0 : i32
        %dma_start3A_26 = arith.constant 0 : i32
        %dma_start3A_27 = tpu.memref_slice %arg8[%dma_start3A_25, %dma_start3A_26] : memref<12x1024xi32, #tpu.memory_space<vmem>> -> memref<8x1024xi32, #tpu.memory_space<vmem>>
        %dma_start3A_28 = arith.constant 0 : i32
        %dma_start3A_29 = tpu.memref_slice %arg4[%add3A_15, %dma_start3A_28] : memref<320x1024xi32, #tpu.memory_space<hbm>> -> memref<8x1024xi32, #tpu.memory_space<hbm>>
        tpu.enqueue_dma source(%dma_start3A_29 : memref<8x1024xi32, #tpu.memory_space<hbm>>) target(%dma_start3A_27 : memref<8x1024xi32, #tpu.memory_space<vmem>>) target_semaphore(%run_scoped3A : memref<!tpu.dma_semaphore, #tpu.memory_space<semaphore_mem>>)
        %dma_wait3A = arith.constant 0 : i32
        %dma_wait3A_30 = arith.constant 0 : i32
        %dma_wait3A_31 = tpu.memref_slice %arg8[%dma_wait3A, %dma_wait3A_30] : memref<12x1024xi32, #tpu.memory_space<vmem>> -> memref<8x1024xi32, #tpu.memory_space<vmem>>
        %dma_wait3A_32 = arith.constant 0 : i32
        %dma_wait3A_33 = tpu.memref_slice %arg4[%add3A_15, %dma_wait3A_32] : memref<320x1024xi32, #tpu.memory_space<hbm>> -> memref<8x1024xi32, #tpu.memory_space<hbm>>
        %dma_wait3A_34 = arith.constant 0 : i32
        %dma_wait3A_35 = arith.constant 0 : i32
        %dma_wait3A_36 = tpu.memref_slice %arg8[%dma_wait3A_34, %dma_wait3A_35] : memref<12x1024xi32, #tpu.memory_space<vmem>> -> memref<8x1024xi32, #tpu.memory_space<vmem>>
        %dma_wait3A_37 = arith.constant 0 : i32
        %dma_wait3A_38 = tpu.memref_slice %arg4[%add3A_15, %dma_wait3A_37] : memref<320x1024xi32, #tpu.memory_space<hbm>> -> memref<8x1024xi32, #tpu.memory_space<hbm>>
        tpu.wait_dma2 semaphore(%run_scoped3A : memref<!tpu.dma_semaphore, #tpu.memory_space<semaphore_mem>>) src(%dma_wait3A_38 : memref<8x1024xi32, #tpu.memory_space<hbm>>) dst(%dma_wait3A_36 : memref<8x1024xi32, #tpu.memory_space<vmem>>)
        tpu.yield
      }) : () -> ()
      %scan3A = arith.constant 0 : i32
      %scan3A_16 = arith.constant 0 : i32
      %scan3A_17 = arith.constant 8 : i32
      %scan3A_18 = arith.addi %scan3A_16, %scan3A_17 : i32
      %scan3A_19 = arith.constant 1 : i32
      scf.for %scan3A_21 = %scan3A_16 to %scan3A_18 step %scan3A_19  : i32 {
        %dma_start3A = arith.constant 0 : i32
        %dma_start3A_22 = tpu.memref_slice %arg7[%scan3A_21, %dma_start3A] : memref<12x1024xi32, #tpu.memory_space<vmem>> -> memref<1x1024xi32, #tpu.memory_space<vmem>>
        %dma_start3A_23 = tpu.memref_squeeze %dma_start3A_22 : memref<1x1024xi32, #tpu.memory_space<vmem>> -> memref<1024xi32, #tpu.memory_space<vmem>>
        %dma_start3A_24 = arith.constant 0 : i32
        %dma_start3A_25 = arith.constant 0 : i32
        %dma_start3A_26 = tpu.memref_slice %arg12[%dma_start3A_24, %dma_start3A_25] : memref<10112x32xf32, #tpu.memory_space<vmem_shared>> -> memref<10112x32xf32, #tpu.memory_space<vmem_shared>>
        tpu.enqueue_indirect_dma source(%dma_start3A_26 : memref<10112x32xf32, #tpu.memory_space<vmem_shared>>) target(%arg9 : memref<1024x32xf32, #tpu.memory_space<vmem>>) offsets(%dma_start3A_23 : memref<1024xi32, #tpu.memory_space<vmem>>) semaphore(%arg13 : memref<!tpu.dma_semaphore, #tpu.memory_space<semaphore_mem>>)
        %dma_wait3A = arith.constant 0 : i32
        %dma_wait3A_27 = tpu.memref_slice %arg7[%scan3A_21, %dma_wait3A] : memref<12x1024xi32, #tpu.memory_space<vmem>> -> memref<1x1024xi32, #tpu.memory_space<vmem>>
        %dma_wait3A_28 = tpu.memref_squeeze %dma_wait3A_27 : memref<1x1024xi32, #tpu.memory_space<vmem>> -> memref<1024xi32, #tpu.memory_space<vmem>>
        %dma_wait3A_29 = arith.constant 0 : i32
        %dma_wait3A_30 = arith.constant 0 : i32
        %dma_wait3A_31 = tpu.memref_slice %arg12[%dma_wait3A_29, %dma_wait3A_30] : memref<10112x32xf32, #tpu.memory_space<vmem_shared>> -> memref<10112x32xf32, #tpu.memory_space<vmem_shared>>
        tpu.wait_indirect_dma semaphore(%arg13 : memref<!tpu.dma_semaphore, #tpu.memory_space<semaphore_mem>>) src(%dma_wait3A_31 : memref<10112x32xf32, #tpu.memory_space<vmem_shared>>) dst(%arg9 : memref<1024x32xf32, #tpu.memory_space<vmem>>)
        "tpu.region"() ({
          %run_scoped3A = tpu.sem_alloc : memref<!tpu.dma_semaphore, #tpu.memory_space<semaphore_mem>>
          %dma_start3A_32 = arith.constant 0 : i32
          %dma_start3A_33 = tpu.memref_slice %arg8[%scan3A_21, %dma_start3A_32] : memref<12x1024xi32, #tpu.memory_space<vmem>> -> memref<1x1024xi32, #tpu.memory_space<vmem>>
          %dma_start3A_34 = tpu.memref_squeeze %dma_start3A_33 : memref<1x1024xi32, #tpu.memory_space<vmem>> -> memref<1024xi32, #tpu.memory_space<vmem>>
          %dma_start3A_35 = arith.constant 0 : i32
          %dma_start3A_36 = arith.constant 0 : i32
          %dma_start3A_37 = tpu.memref_slice %arg11[%dma_start3A_35, %dma_start3A_36] : memref<10112x32xf32, #tpu.memory_space<vmem_shared>> -> memref<10112x32xf32, #tpu.memory_space<vmem_shared>>
          tpu.enqueue_indirect_dma source(%arg9 : memref<1024x32xf32, #tpu.memory_space<vmem>>) target(%dma_start3A_37 : memref<10112x32xf32, #tpu.memory_space<vmem_shared>>) offsets(%dma_start3A_34 : memref<1024xi32, #tpu.memory_space<vmem>>) semaphore(%run_scoped3A : memref<!tpu.dma_semaphore, #tpu.memory_space<semaphore_mem>>) {add = true}
          %dma_wait3A_38 = arith.constant 0 : i32
          %dma_wait3A_39 = tpu.memref_slice %arg8[%scan3A_21, %dma_wait3A_38] : memref<12x1024xi32, #tpu.memory_space<vmem>> -> memref<1x1024xi32, #tpu.memory_space<vmem>>
          %dma_wait3A_40 = tpu.memref_squeeze %dma_wait3A_39 : memref<1x1024xi32, #tpu.memory_space<vmem>> -> memref<1024xi32, #tpu.memory_space<vmem>>
          %dma_wait3A_41 = arith.constant 0 : i32
          %dma_wait3A_42 = arith.constant 0 : i32
          %dma_wait3A_43 = tpu.memref_slice %arg11[%dma_wait3A_41, %dma_wait3A_42] : memref<10112x32xf32, #tpu.memory_space<vmem_shared>> -> memref<10112x32xf32, #tpu.memory_space<vmem_shared>>
          tpu.wait_indirect_dma semaphore(%run_scoped3A : memref<!tpu.dma_semaphore, #tpu.memory_space<semaphore_mem>>) src(%arg9 : memref<1024x32xf32, #tpu.memory_space<vmem>>) dst(%dma_wait3A_43 : memref<10112x32xf32, #tpu.memory_space<vmem_shared>>)
          tpu.yield
        }) : () -> ()
      }
      %scan3A_20 = arith.constant 8 : i32
    } else {
    }
    %barrier3A_8 = arith.constant 0 : index
    tpu.barrier barrier_id(%barrier3A_8)
    %mul3A_9 = arith.constant 632 : i32
    %mul3A_10 = arith.muli %arg1, %mul3A_9 : i32
    "tpu.region"() ({
      %run_scoped3A = tpu.sem_alloc : memref<!tpu.dma_semaphore, #tpu.memory_space<semaphore_mem>>
      %dma_start3A = arith.constant 0 : i32
      %dma_start3A_13 = tpu.memref_slice %arg11[%mul3A_10, %dma_start3A] : memref<10112x32xf32, #tpu.memory_space<vmem_shared>> -> memref<632x32xf32, #tpu.memory_space<vmem_shared>>
      %dma_start3A_14 = arith.constant 0 : i32
      %dma_start3A_15 = tpu.memref_slice %arg11[%mul3A_10, %dma_start3A_14] : memref<10112x32xf32, #tpu.memory_space<vmem_shared>> -> memref<632x32xf32, #tpu.memory_space<vmem_shared>>
      tpu.enqueue_dma source(%dma_start3A_15 : memref<632x32xf32, #tpu.memory_space<vmem_shared>>) target(%arg10 : memref<632x32xf32, #tpu.memory_space<vmem>>) target_semaphore(%run_scoped3A : memref<!tpu.dma_semaphore, #tpu.memory_space<semaphore_mem>>)
      %dma_wait3A = arith.constant 0 : i32
      %dma_wait3A_16 = tpu.memref_slice %arg11[%mul3A_10, %dma_wait3A] : memref<10112x32xf32, #tpu.memory_space<vmem_shared>> -> memref<632x32xf32, #tpu.memory_space<vmem_shared>>
      %dma_wait3A_17 = arith.constant 0 : i32
      %dma_wait3A_18 = tpu.memref_slice %arg11[%mul3A_10, %dma_wait3A_17] : memref<10112x32xf32, #tpu.memory_space<vmem_shared>> -> memref<632x32xf32, #tpu.memory_space<vmem_shared>>
      tpu.wait_dma2 semaphore(%run_scoped3A : memref<!tpu.dma_semaphore, #tpu.memory_space<semaphore_mem>>) src(%dma_wait3A_18 : memref<632x32xf32, #tpu.memory_space<vmem_shared>>) dst(%arg10 : memref<632x32xf32, #tpu.memory_space<vmem>>)
      tpu.yield
    }) : () -> ()
    %mul3A_11 = arith.constant 632 : i32
    %mul3A_12 = arith.muli %arg1, %mul3A_11 : i32
    "tpu.region"() ({
      %run_scoped3A = tpu.sem_alloc : memref<!tpu.dma_semaphore, #tpu.memory_space<semaphore_mem>>
      %dma_start3A = arith.constant 0 : i32
      %dma_start3A_13 = tpu.memref_slice %arg6[%arg0, %mul3A_12, %dma_start3A] : memref<2x10112x32xf32, #tpu.memory_space<hbm>> -> memref<1x632x32xf32, #tpu.memory_space<hbm>>
      %dma_start3A_14 = tpu.memref_squeeze %dma_start3A_13 : memref<1x632x32xf32, #tpu.memory_space<hbm>> -> memref<632x32xf32, #tpu.memory_space<hbm>>
      %dma_start3A_15 = arith.constant 0 : i32
      %dma_start3A_16 = tpu.memref_slice %arg6[%arg0, %mul3A_12, %dma_start3A_15] : memref<2x10112x32xf32, #tpu.memory_space<hbm>> -> memref<1x632x32xf32, #tpu.memory_space<hbm>>
      %dma_start3A_17 = tpu.memref_squeeze %dma_start3A_16 : memref<1x632x32xf32, #tpu.memory_space<hbm>> -> memref<632x32xf32, #tpu.memory_space<hbm>>
      tpu.enqueue_dma source(%arg10 : memref<632x32xf32, #tpu.memory_space<vmem>>) target(%dma_start3A_17 : memref<632x32xf32, #tpu.memory_space<hbm>>) target_semaphore(%run_scoped3A : memref<!tpu.dma_semaphore, #tpu.memory_space<semaphore_mem>>)
      %dma_wait3A = arith.constant 0 : i32
      %dma_wait3A_18 = tpu.memref_slice %arg6[%arg0, %mul3A_12, %dma_wait3A] : memref<2x10112x32xf32, #tpu.memory_space<hbm>> -> memref<1x632x32xf32, #tpu.memory_space<hbm>>
      %dma_wait3A_19 = tpu.memref_squeeze %dma_wait3A_18 : memref<1x632x32xf32, #tpu.memory_space<hbm>> -> memref<632x32xf32, #tpu.memory_space<hbm>>
      %dma_wait3A_20 = arith.constant 0 : i32
      %dma_wait3A_21 = tpu.memref_slice %arg6[%arg0, %mul3A_12, %dma_wait3A_20] : memref<2x10112x32xf32, #tpu.memory_space<hbm>> -> memref<1x632x32xf32, #tpu.memory_space<hbm>>
      %dma_wait3A_22 = tpu.memref_squeeze %dma_wait3A_21 : memref<1x632x32xf32, #tpu.memory_space<hbm>> -> memref<632x32xf32, #tpu.memory_space<hbm>>
      tpu.wait_dma2 semaphore(%run_scoped3A : memref<!tpu.dma_semaphore, #tpu.memory_space<semaphore_mem>>) src(%arg10 : memref<632x32xf32, #tpu.memory_space<vmem>>) dst(%dma_wait3A_22 : memref<632x32xf32, #tpu.memory_space<hbm>>)
      tpu.yield
    }) : () -> ()
    return
  }
}

module attributes {stable_mosaic.version = 14 : i64} {
  func.func @_dense1_body(%arg0: memref<10112x128xf32, #tpu.memory_space<vmem>>, %arg1: memref<128x16xf32, #tpu.memory_space<vmem>>, %arg2: memref<1x16xf32, #tpu.memory_space<vmem>>, %arg3: memref<10112x16xf32, #tpu.memory_space<vmem>>) attributes {dimension_semantics = [], scalar_prefetch = 0 : i64, scratch_operands = 0 : i64, tpu.core_type = #tpu.core_type<tc>} {
    %get3A = arith.constant 0 : index
    %get3A_0 = arith.constant 0 : index
    %get3A_1 = vector.load %arg0[%get3A, %get3A_0] : memref<10112x128xf32, #tpu.memory_space<vmem>>, vector<10112x128xf32>
    %get3A_2 = arith.constant 0 : index
    %get3A_3 = arith.constant 0 : index
    %get3A_4 = vector.load %arg1[%get3A_2, %get3A_3] : memref<128x16xf32, #tpu.memory_space<vmem>>, vector<128x16xf32>
    %dot_general3A = arith.constant dense<0.000000e+00> : vector<10112x16xf32>
    %dot_general3A_5 = tpu.matmul %get3A_1, %get3A_4, %dot_general3A {dimension_numbers = #tpu.dot_dimension_numbers<[1], [0], [0], [1], [0, 0, 1, 1], [], []>, transpose_lhs_hint = false} : vector<10112x128xf32>, vector<128x16xf32>, vector<10112x16xf32> -> vector<10112x16xf32>
    %get3A_6 = arith.constant 0 : index
    %get3A_7 = arith.constant 0 : index
    %get3A_8 = vector.load %arg2[%get3A_6, %get3A_7] : memref<1x16xf32, #tpu.memory_space<vmem>>, vector<1x16xf32>
    %mul3A = vector.broadcast %get3A_8 : vector<1x16xf32> to vector<10112x16xf32>
    %mul3A_9 = arith.mulf %dot_general3A_5, %mul3A : vector<10112x16xf32>
    %reduce_sum3A = arith.constant dense<0.000000e+00> : vector<10112xf32>
    %reduce_sum3A_10 = vector.multi_reduction <add>, %mul3A_9, %reduce_sum3A [1] : vector<10112x16xf32> to vector<10112xf32>
    %broadcast_in_dim3A = vector.shape_cast %reduce_sum3A_10 : vector<10112xf32> to vector<10112x1xf32>
    %ge3A = arith.constant 0.000000e+00 : f32
    %ge3A_11 = vector.broadcast %ge3A : f32 to vector<10112x1xf32>
    %ge3A_12 = arith.cmpf oge, %broadcast_in_dim3A, %ge3A_11 : vector<10112x1xf32>
    %mul3A_13 = arith.constant 2.000000e-01 : f32
    %mul3A_14 = vector.broadcast %mul3A_13 : f32 to vector<10112x1xf32>
    %mul3A_15 = arith.mulf %mul3A_14, %broadcast_in_dim3A : vector<10112x1xf32>
    %select_n3A = arith.select %ge3A_12, %broadcast_in_dim3A, %mul3A_15 : vector<10112x1xi1>, vector<10112x1xf32>
    %mul3A_16 = vector.broadcast %select_n3A : vector<10112x1xf32> to vector<10112x16xf32>
    %mul3A_17 = arith.mulf %dot_general3A_5, %mul3A_16 : vector<10112x16xf32>
    %swap3A = arith.constant 0 : index
    %swap3A_18 = arith.constant 0 : index
    %swap3A_19 = vector.load %arg3[%swap3A, %swap3A_18] : memref<10112x16xf32, #tpu.memory_space<vmem>>, vector<10112x16xf32>
    tpu.vector_store %arg3[%swap3A, %swap3A_18], %mul3A_17 {strides = array<i32>} : memref<10112x16xf32, #tpu.memory_space<vmem>>, vector<10112x16xf32>,
    return
  }
}

module attributes {stable_mosaic.version = 14 : i64} {
  func.func @_dense2_body(%arg0: memref<2x10112x16xf32, #tpu.memory_space<vmem>>, %arg1: memref<10112x16xf32, #tpu.memory_space<vmem>>, %arg2: memref<1x16xf32, #tpu.memory_space<vmem>>, %arg3: memref<16x32xf32, #tpu.memory_space<vmem>>, %arg4: memref<1x32xf32, #tpu.memory_space<vmem>>, %arg5: memref<10112x32xf32, #tpu.memory_space<vmem>>) attributes {dimension_semantics = [], scalar_prefetch = 0 : i64, scratch_operands = 0 : i64, tpu.core_type = #tpu.core_type<tc>} {
    %get3A = arith.constant 0 : index
    %get3A_0 = arith.constant 0 : index
    %get3A_1 = arith.constant 0 : index
    %get3A_2 = vector.load %arg0[%get3A, %get3A_0, %get3A_1] : memref<2x10112x16xf32, #tpu.memory_space<vmem>>, vector<1x10112x16xf32>
    %get3A_3 = vector.shape_cast %get3A_2 : vector<1x10112x16xf32> to vector<10112x16xf32>
    %get3A_4 = arith.constant 1 : index
    %get3A_5 = arith.constant 0 : index
    %get3A_6 = arith.constant 0 : index
    %get3A_7 = vector.load %arg0[%get3A_4, %get3A_5, %get3A_6] : memref<2x10112x16xf32, #tpu.memory_space<vmem>>, vector<1x10112x16xf32>
    %get3A_8 = vector.shape_cast %get3A_7 : vector<1x10112x16xf32> to vector<10112x16xf32>
    %add3A = arith.addf %get3A_3, %get3A_8 : vector<10112x16xf32>
    %get3A_9 = arith.constant 0 : index
    %get3A_10 = arith.constant 0 : index
    %get3A_11 = vector.load %arg1[%get3A_9, %get3A_10] : memref<10112x16xf32, #tpu.memory_space<vmem>>, vector<10112x16xf32>
    %add3A_12 = arith.addf %add3A, %get3A_11 : vector<10112x16xf32>
    %get3A_13 = arith.constant 0 : index
    %get3A_14 = arith.constant 0 : index
    %get3A_15 = vector.load %arg2[%get3A_13, %get3A_14] : memref<1x16xf32, #tpu.memory_space<vmem>>, vector<1x16xf32>
    %add3A_16 = vector.broadcast %get3A_15 : vector<1x16xf32> to vector<10112x16xf32>
    %add3A_17 = arith.addf %add3A_12, %add3A_16 : vector<10112x16xf32>
    %max3A = arith.constant 0.000000e+00 : f32
    %max3A_18 = vector.broadcast %max3A : f32 to vector<10112x16xf32>
    %max3A_19 = arith.maximumf %add3A_17, %max3A_18 : vector<10112x16xf32>
    %get3A_20 = arith.constant 0 : index
    %get3A_21 = arith.constant 0 : index
    %get3A_22 = vector.load %arg3[%get3A_20, %get3A_21] : memref<16x32xf32, #tpu.memory_space<vmem>>, vector<16x32xf32>
    %dot_general3A = arith.constant dense<0.000000e+00> : vector<10112x32xf32>
    %dot_general3A_23 = tpu.matmul %max3A_19, %get3A_22, %dot_general3A {dimension_numbers = #tpu.dot_dimension_numbers<[1], [0], [0], [1], [0, 0, 1, 1], [], []>, transpose_lhs_hint = false} : vector<10112x16xf32>, vector<16x32xf32>, vector<10112x32xf32> -> vector<10112x32xf32>
    %get3A_24 = arith.constant 0 : index
    %get3A_25 = arith.constant 0 : index
    %get3A_26 = vector.load %arg4[%get3A_24, %get3A_25] : memref<1x32xf32, #tpu.memory_space<vmem>>, vector<1x32xf32>
    %mul3A = vector.broadcast %get3A_26 : vector<1x32xf32> to vector<10112x32xf32>
    %mul3A_27 = arith.mulf %dot_general3A_23, %mul3A : vector<10112x32xf32>
    %reduce_sum3A = arith.constant dense<0.000000e+00> : vector<10112xf32>
    %reduce_sum3A_28 = vector.multi_reduction <add>, %mul3A_27, %reduce_sum3A [1] : vector<10112x32xf32> to vector<10112xf32>
    %broadcast_in_dim3A = vector.shape_cast %reduce_sum3A_28 : vector<10112xf32> to vector<10112x1xf32>
    %ge3A = arith.constant 0.000000e+00 : f32
    %ge3A_29 = vector.broadcast %ge3A : f32 to vector<10112x1xf32>
    %ge3A_30 = arith.cmpf oge, %broadcast_in_dim3A, %ge3A_29 : vector<10112x1xf32>
    %mul3A_31 = arith.constant 2.000000e-01 : f32
    %mul3A_32 = vector.broadcast %mul3A_31 : f32 to vector<10112x1xf32>
    %mul3A_33 = arith.mulf %mul3A_32, %broadcast_in_dim3A : vector<10112x1xf32>
    %select_n3A = arith.select %ge3A_30, %broadcast_in_dim3A, %mul3A_33 : vector<10112x1xi1>, vector<10112x1xf32>
    %mul3A_34 = vector.broadcast %select_n3A : vector<10112x1xf32> to vector<10112x32xf32>
    %mul3A_35 = arith.mulf %dot_general3A_23, %mul3A_34 : vector<10112x32xf32>
    %swap3A = arith.constant 0 : index
    %swap3A_36 = arith.constant 0 : index
    %swap3A_37 = vector.load %arg5[%swap3A, %swap3A_36] : memref<10112x32xf32, #tpu.memory_space<vmem>>, vector<10112x32xf32>
    tpu.vector_store %arg5[%swap3A, %swap3A_36], %mul3A_35 {strides = array<i32>} : memref<10112x32xf32, #tpu.memory_space<vmem>>, vector<10112x32xf32>,
    return
  }
}

module attributes {stable_mosaic.version = 14 : i64} {
  func.func @_final_body(%arg0: memref<2x10112x32xf32, #tpu.memory_space<vmem>>, %arg1: memref<10112x32xf32, #tpu.memory_space<vmem>>, %arg2: memref<1x32xf32, #tpu.memory_space<vmem>>, %arg3: memref<10112x32xf32, #tpu.memory_space<vmem>>) attributes {dimension_semantics = [], scalar_prefetch = 0 : i64, scratch_operands = 0 : i64, tpu.core_type = #tpu.core_type<tc>} {
    %get3A = arith.constant 0 : index
    %get3A_0 = arith.constant 0 : index
    %get3A_1 = arith.constant 0 : index
    %get3A_2 = vector.load %arg0[%get3A, %get3A_0, %get3A_1] : memref<2x10112x32xf32, #tpu.memory_space<vmem>>, vector<1x10112x32xf32>
    %get3A_3 = vector.shape_cast %get3A_2 : vector<1x10112x32xf32> to vector<10112x32xf32>
    %get3A_4 = arith.constant 1 : index
    %get3A_5 = arith.constant 0 : index
    %get3A_6 = arith.constant 0 : index
    %get3A_7 = vector.load %arg0[%get3A_4, %get3A_5, %get3A_6] : memref<2x10112x32xf32, #tpu.memory_space<vmem>>, vector<1x10112x32xf32>
    %get3A_8 = vector.shape_cast %get3A_7 : vector<1x10112x32xf32> to vector<10112x32xf32>
    %add3A = arith.addf %get3A_3, %get3A_8 : vector<10112x32xf32>
    %get3A_9 = arith.constant 0 : index
    %get3A_10 = arith.constant 0 : index
    %get3A_11 = vector.load %arg1[%get3A_9, %get3A_10] : memref<10112x32xf32, #tpu.memory_space<vmem>>, vector<10112x32xf32>
    %add3A_12 = arith.addf %add3A, %get3A_11 : vector<10112x32xf32>
    %get3A_13 = arith.constant 0 : index
    %get3A_14 = arith.constant 0 : index
    %get3A_15 = vector.load %arg2[%get3A_13, %get3A_14] : memref<1x32xf32, #tpu.memory_space<vmem>>, vector<1x32xf32>
    %add3A_16 = vector.broadcast %get3A_15 : vector<1x32xf32> to vector<10112x32xf32>
    %add3A_17 = arith.addf %add3A_12, %add3A_16 : vector<10112x32xf32>
    %swap3A = arith.constant 0 : index
    %swap3A_18 = arith.constant 0 : index
    %swap3A_19 = vector.load %arg3[%swap3A, %swap3A_18] : memref<10112x32xf32, #tpu.memory_space<vmem>>, vector<10112x32xf32>
    tpu.vector_store %arg3[%swap3A, %swap3A_18], %add3A_17 {strides = array<i32>} : memref<10112x32xf32, #tpu.memory_space<vmem>>, vector<10112x32xf32>,
    return
  }
}

</mosaic_0001>

<sc_bundles>
// kernel: kernel.10.cloned.1.call-start
scs
__scs_entry_jumppad:
0x0: {  	(pc) =	sbr.rel $0x88, $3  }
0x1: {  	(tag) =	ssettag $0x0;
	lr =	simm.s32 $0x1  }
0x2: {  	[smem:$0x3F99] =	sst lr;
	_ =	strace $0xD0000000  }
0x3: {  	_ = 	snop  }
0x4: {  	_ = 	snop  }
0x5: {  	_ = 	snop  }
0x6: {  	_ = 	snop  }
0x7: {  	_ = 	snop  }
__scs_overlays_trampoline_lowered:
0x8: {  	[smem:$0x3FA8] =	sst s0  }
0x9: {  	[smem:$0x3FA9] =	sst s1  }
0xa: {  	[smem:$0x3FAA] =	sst s2  }
0xb: {  	[smem:$0x3FAB] =	sst s3  }
0xc: {  	[smem:$0x3FAC] =	sst s4  }
0xd: {  	[smem:$0x3FAD] =	sst s5  }
0xe: {  	[smem:$0x3FAE] =	sst s6  }
0xf: {  	[smem:$0x3FAF] =	sst s7  }
0x10: {  	[smem:$0x3FB0] =	sst s8  }
0x11: {  	[smem:$0x3FB1] =	sst s9;
	s0 =	simm.s32 @!p0 $0x0  }
0x12: {  	s1 =	sld [smem:$0x3F97];
	s0 =	simm.s32 @p0 $0x1  }
0x13: {  	[smem:$0x3FB2] =	sst s0;
	s0 =	simm.s32 @!p1 $0x0  }
0x14: {  	s2 =	sld [smem:$0x3F96];
	s0 =	simm.s32 @p1 $0x1  }
0x15: {  	[smem:$0x3FB3] =	sst s0;
	s0 =	simm.s32 @!p2 $0x0  }
0x16: {  	s3 =	sld [smem:$0x3FDB];
	s0 =	simm.s32 @p2 $0x1  }
0x17: {  	s4 =	simm.s32 $0x1BF5;
	[smem:$0x3FB5] =	sst s0  }
0x18: {  	s0 =	sld [smem:$0x3F98];
	_ =	swait.ge [sflag:s4], $0x0  }
0x19: {  	s7 =	sld [smem:$0x3F99]  }
0x1a: {  	s8 =	sadd.s32 $0xFFFFE003, lr  }
0x1b: {  	s9 =	sadd.s32 $0xFFFFFEF7, lr;
	s5 =	simm.s32 $0xFFFFFFFF;
	p2 =	slt.u32 s8, $0xFFFFF086  }
0x1c: {  	p1 =	slt.u32 s9, $0xF7A;
	s5 =	simm.s32 @!p2 $0x0  }
0x1d: {  	s5 =	simm.s32 @p1 $0x1;
	p0 =	seq.s32 s7, s2  }
0x1e: {  	s7 =	smul.u32 @!p0 $0xF7A, s2;
	p2 =	seq.s32 @!p0 s5, $0x0  }
0x1f: {  	s9 =	smul.u32 $0xF7A, s1;
	s8 =	simm.s32 @!p0 $0x1BF5;
	p2 =	por !p2, p0  }
0x20: {  	[sflag:s8] =	ssyncset.s32 @!p0 $0xFFFFF086;
	s6 =	sadd.s32 @!p0 s3, s7;
	s7 =	simm.s32 @!p0 $0x108  }
0x21: {  	s3 =	sadd.s32 s3, s9;
	s6 =	sadd.s32 @!p0 $0x88, s6;
	s7 =	simm.s32 @p2 $0x1082  }
0x22: {  	[simem:s7], [sflag:s8] =	dma.local @!p0 [hbm:s6], $0xF7A  }
0x23: {  	s9 =	sor.u32 $0xD0000000, s2;
	s6 =	simm.s32 $0x108;
	_ =	swait.ge @!p0 [sflag:s8], $0x0  }
0x24: {  	s3 =	sadd.s32 $0x88, s3;
	s6 =	simm.s32 @!p1 $0x1082;
	[sflag:s4] =	ssyncset.s32 $0xFFFFF086  }
0x25: {  	[simem:s6], [sflag:s4] =	dma.local [hbm:s3], $0xF7A  }
0x26: {  	[smem:$0x3F99] =	sst s1;
	(tag) =	ssettag s2;
	_ =	strace s9  }
0x27: {  	s1 =	sld [smem:$0x3FA9]  }
0x28: {  	s2 =	sld [smem:$0x3FAA]  }
0x29: {  	s4 =	sld [smem:$0x3FAC]  }
0x2a: {  	p0 =	seq.s32 s5, $0x0;
	s5 =	sld [smem:$0x3FAD]  }
0x2b: {  	s6 =	sld [smem:$0x3FAE]  }
0x2c: {  	s7 =	sld [smem:$0x3FAF]  }
0x2d: {  	s3 =	simm.s32 $0x108;
	s8 =	sld [smem:$0x3FB0]  }
0x2e: {  	s3 =	simm.s32 @!p0 $0x1082;
	s9 =	sld [smem:$0x3FB1]  }
0x2f: {  	lr =	sadd.s32 s0, s3;
	s0 =	sld [smem:$0x3FA8]  }
0x30: {  	s3 =	sld [smem:$0x3FAB]  }
0x31: {  	[smem:$0x3FB4] =	sst s10  }
0x32: {  	s10 =	sld [smem:$0x3FB2];
	_ =	sdelay $0x3  }
0x33: {  	p0 =	seq.s32 s10, $0x1;
	s10 =	sld [smem:$0x3FB4];
	_ =	sdelay $0x3  }
0x34: {  	[smem:$0x3FB4] =	sst s10  }
0x35: {  	s10 =	sld [smem:$0x3FB3];
	_ =	sdelay $0x3  }
0x36: {  	p1 =	seq.s32 s10, $0x1;
	s10 =	sld [smem:$0x3FB4];
	_ =	sdelay $0x3  }
0x37: {  	[smem:$0x3FB4] =	sst s10  }
0x38: {  	s10 =	sld [smem:$0x3FB5]  }
0x39: {  	_ = 	snop;
	(pc) =	sbr.ind lr, $3  }
0x3a: {  	_ = 	snop  }
0x3b: {  	_ = 	snop  }
0x3c: {  	p2 =	seq.s32 s10, $0x1;
	s10 =	sld [smem:$0x3FB4]  }
0x3d: {  	_ =	shalt  }
0x3e: {  	_ =	shalt  }
0x3f: {  	_ =	shalt  }
0x40: {  	_ =	shalt  }
0x41: {  	_ =	shalt  }
0x42: {  	_ =	shalt  }
0x43: {  	_ =	shalt  }
0x44: {  	_ =	shalt  }
0x45: {  	_ =	shalt  }
0x46: {  	_ =	shalt  }
0x47: {  	_ =	shalt  }
0x48: {  	_ =	shalt  }
0x49: {  	_ =	shalt  }
0x4a: {  	_ =	shalt  }
0x4b: {  	_ =	shalt  }
0x4c: {  	_ =	shalt  }
0x4d: {  	_ =	shalt  }
0x4e: {  	_ =	shalt  }
0x4f: {  	_ =	shalt  }
0x50: {  	_ =	shalt  }
0x51: {  	_ =	shalt  }
0x52: {  	_ =	shalt  }
0x53: {  	_ =	shalt  }
0x54: {  	_ =	shalt  }
0x55: {  	_ =	shalt  }
0x56: {  	_ =	shalt  }
0x57: {  	_ =	shalt  }
0x58: {  	_ =	shalt  }
0x59: {  	_ =	shalt  }
0x5a: {  	_ =	shalt  }
0x5b: {  	_ =	shalt  }
0x5c: {  	_ =	shalt  }
0x5d: {  	_ =	shalt  }
0x5e: {  	_ =	shalt  }
0x5f: {  	_ =	shalt  }
0x60: {  	_ =	shalt  }
0x61: {  	_ =	shalt  }
0x62: {  	_ =	shalt  }
0x63: {  	_ =	shalt  }
0x64: {  	_ =	shalt  }
0x65: {  	_ =	shalt  }
0x66: {  	_ =	shalt  }
0x67: {  	_ =	shalt  }
0x68: {  	_ =	shalt  }
0x69: {  	_ =	shalt  }
0x6a: {  	_ =	shalt  }
0x6b: {  	_ =	shalt  }
0x6c: {  	_ =	shalt  }
0x6d: {  	_ =	shalt  }
0x6e: {  	_ =	shalt  }
0x6f: {  	_ =	shalt  }
0x70: {  	_ =	shalt  }
0x71: {  	_ =	shalt  }
0x72: {  	_ =	shalt  }
0x73: {  	_ =	shalt  }
0x74: {  	_ =	shalt  }
0x75: {  	_ =	shalt  }
0x76: {  	_ =	shalt  }
0x77: {  	_ =	shalt  }
0x78: {  	_ =	shalt  }
0x79: {  	_ =	shalt  }
0x7a: {  	_ =	shalt  }
0x7b: {  	_ =	shalt  }
0x7c: {  	_ =	shalt  }
0x7d: {  	_ =	shalt  }
0x7e: {  	_ =	shalt  }
0x7f: {  	_ =	shalt  }
0x80: {  	_ =	shalt  }
0x81: {  	_ =	shalt  }
0x82: {  	_ =	shalt  }
0x83: {  	_ =	shalt  }
0x84: {  	_ =	shalt  }
0x85: {  	_ =	shalt  }
0x86: {  	_ =	shalt  }
0x87: {  	_ =	shalt  }
.Lfunc_end0:
.L_simem_size_0:
called_computation.1_lowered:
.L_overlay_start_0:
0x88: {  	s2 =	sld [smem:$0x3FD9]  }
0x89: {  	s3 =	sld [smem:$0x3FFE];
	_ =	sdelay $0x1  }
0x8a: {  	s1 =	srdreg.scid  }
0x8b: {  	s0 =	sand.u32 $0x1, s1  }
0x8c: {  	s17 =	sshll.u32 s0, $0xA;
	s2 =	sadd.s32 s3, s2  }
0x8d: {  	s2 =	sadd.s32 s2, s17  }
0x8e: {  	[smem:$0x3FC0] =	sst s2  }
0x8f: {  	_ = 	snop  }
0x90: {  	s2 =	sld [smem:$0x3FD0];
	(tm) =	ssettm $0x1  }
0x91: {  	s18 =	sld [smem:$0x3FFB];
	_ =	sdelay $0x3  }
0x92: {  	_ =	strace s18  }
0x93: {  	s3 =	sld [smem:$0x3FFC];
	_ =	sdelay $0x3  }
0x94: {  	_ =	strace s3  }
0x95: {  	s3 =	sld [smem:$0x3FFD];
	_ =	sdelay $0x3  }
0x96: {  	_ =	strace s3  }
0x97: {  	_ =	strace $0x8FFFFFFF  }
0x98: {  	s19 =	sld [smem:$0x3FDB];
	_ =	sdelay $0x1  }
0x99: {  	s4 =	simm.s32 $_scs_section_size  }
0x9a: {  	s5 =	simm.s32 $_size__tile_overlayer_lowered;
	s6 =	simm.s32 $_tile_overlayer_lowered  }
0x9b: {  	s22 =	simm.s32 $0x1BFF;
	s21 =	sshll.u32 s6, $0x1;
	s3 =	sadd.s32 s4, s19  }
0x9c: {  	s7 =	simm.s32 $0x0;
	s20 =	sshll.u32 s5, $0x1;
	s5 =	sadd.s32 s21, s3  }
0x9d: {  	[timem:s7], [sflag:s22] =	dma.local [hbm:s5], s20  }
0x9e: {  	_ =	swait.ge [sflag:s22], s20  }
0x9f: {  	s4 =	ssub.s32 $0x0, s20;
	[sflag:s22] =	ssyncset.done $0x0  }
0xa0: {  	[sflag:s22] =	ssyncadd.s32 s4;
	_ =	sdelay $0x1  }
0xa1: {  	s23 =	simm.s32 $0x1B8B  }
0xa2: {  	_ =	swait.ge [sflag:s23], $0x1  }
0xa3: {  	[sflag:s23] =	ssyncset.done $0x0  }
0xa4: {  	s25 =	simm.s32 $0x1B8E;
	s24 =	sld [smem:$0x3FFE];
	[sflag:s23] =	ssyncadd.s32 $0xFFFFFFFF  }
0xa5: {  	s26 =	simm.s32 $execute0_lowered;
	[smem:$0x3FD2] =	sst s25  }
0xa6: {  	s5 =	sshll.u32 s26, $0x1;
	_ =	strace $0x80000049;
	[dreg:$0x1] =	wrdreg $0xFFFFFFFF  }
0xa7: {  	s28 =	simm.s32 $_size_execute0_lowered;
	s3 =	sadd.s32 s3, s5;
	[dreg:$0x0] =	wrdreg $0x0  }
0xa8: {  	s5 =	sshll.u32 s28, $0x1;
	[dreg:$0x2] =	wrdreg s3  }
0xa9: {  	[dreg:$0x3] =	wrdreg s5  }
0xaa: {  	[dreg:$0x4] =	wrdreg $0xC0  }
0xab: {  	_ =	task [dreg:s7], $0x5FFFF  }
0xac: {  	[dreg:$0x1] =	wrdreg $0xFFFFFFFF  }
0xad: {  	[dreg:$0x0] =	wrdreg $0x60  }
0xae: {  	[dreg:$0x2] =	wrdreg s2  }
0xaf: {  	[dreg:$0x3] =	wrdreg s24  }
0xb0: {  	[dreg:$0x4] =	wrdreg $0x17E000  }
0xb1: {  	[dreg:$0x5] =	wrdreg $0x12F000  }
0xb2: {  	[dreg:$0x6] =	wrdreg $0x9  }
0xb3: {  	_ =	task.clear_ibuf [dreg:s7], $0x7FFFF;
	_ =	strace $0x90000049  }
0xb4: {  	s29 =	simm.s32 $0x9;
	_ =	strace $0x8000004B  }
0xb5: {  	_ =	swait.ge [sflag:s29], $0x1  }
0xb6: {  	[sflag:s29] =	ssyncadd.s32 $0xFFFFFFFF  }
0xb7: {  	_ =	strace $0x9000004B  }
0xb8: {  	_ =	sfence  }
0xb9: {  	s30 =	sld [smem:$0x0];
	_ =	sdelay $0x2  }
0xba: {  	s31 =	sshll.u32 s1, $0xD;
	s1 =	sshrl.u32 s1, $0x2  }
0xbb: {  	s3 =	sand.u32 $0x4000, s31;
	s1 =	sadd.s32 s1, s30  }
0xbc: {  	s0 =	sor.u32 s3, s0;
	s1 =	sshll.u32 s1, $0x11  }
0xbd: {  	s0 =	sor.u32 s1, s0  }
0xbe: {  	s0 =	sadd.s32 $0x8F2B, s0  }
0xbf: {  	[sflag:s0] =	ssyncadd.remote.s32 $0x1  }
0xc0: {  	_ =	sfence.sel $0xFFFF  }
0xc1: {  	[dreg:$0x0] =	wrdreg $0xFFFFFFFF;
	(pc) =	sbr.abs _section_cstart, $3  }
0xc2: {  	[dreg:$0x1] =	wrdreg $0xFFFFFFFF  }
0xc3: {  	_ =	task.clear_ibuf [dreg:s7], $0x2FFFF;
	_ =	strace $0x9FFFFFFF  }
0xc4: {  	(tm) =	ssettm $0x7FFFFFFF  }
0xc5: {  	_ =	shalt  }
tec
execute0_lowered:
.L_overlay_start_1:
0x0: {  	(tag) =	ssettag $0x1  }
0x1: {  	s0 =	rddreg [dreg:$0x0]  }
0x2: {  	s1 =	rddreg [dreg:$0x1]  }
0x3: {  	s2 =	rddreg [dreg:$0x2]  }
0x4: {  	s3 =	rddreg [dreg:$0x3]  }
0x5: {  	s5 =	srdreg.scid;
	s13 =	stileid.u32;
	s4 =	simm.s32 $0x0  }
0x6: {  	s15 =	simm.s32 $0xE000;
	s16 =	simm.s32 $0x2;
	s17 =	simm.s32 $0x400  }
0x7: {  	s18 =	simm.s32 $0x6000;
	s19 =	simm.s32 $0x1;
	s20 =	simm.s32 $0x3000  }
0x8: {  	s9 =	sand.u32 $0x1, s5;
	s8 =	smul.u32 $0x4F00, s13;
	[smem:$0x7FF] =	sst s4  }
0x9: {  	s10 =	sadd.s32 $0xAE00, s1;
	s11 =	sadd.s32 $0xE00, s1;
	s28 =	smul.u32 $0x600, s13  }
0xa: {  	s29 =	sshll.u32 s13, $0xA;
	s5 =	smul.u32 $0x4F000, s9;
	_ =	strace $0x8000004A  }
0xb: {  	s7 =	ssub.s32 $0x2, s9;
	p0 =	seq.s32 s9, $0x1;
	s31 =	sadd.s32 $0x6000, s29  }
0xc: {  	s12 =	sshrl.u32 s7, $0x1;
	s26 =	sshrl.u32 s8, $0x3;
	s30 =	sadd.s32 s10, s28  }
0xd: {  	s9 =	sadd.s32 s10, s31;
	s6 =	sadd.s32 s8, s5;
	s5 =	sadd.s32 $0x14E00, s1  }
.Ltmp0:
0xe: {  	s12 =	ssub.s32 s7, s12;
	[dreg:$0x5] =	wrdreg s30;
	(pc) =	sbr.rel .LBB2_1-.Ltmp0, $4  }
0xf: {  	s7 =	sadd.s32 s8, s2;
	[dreg:$0x7] =	wrdreg s9;
	s6 =	sshrl.u32 s6, $0x3  }
0x10: {  	s1 =	sadd.s32 s6, s1;
	s6 =	sadd.s32 s0, s26;
	s0 =	sadd.s32 s11, s28  }
0x11: {  	s8 =	sadd.s32 s8, s3;
	[dreg:$0x6] =	wrdreg s0;
	s0 =	sadd.s32 s11, s31  }
0x12: {  	s14 =	smax.u32 s12, $0x1;
	s13 =	sadd.s32 $0x15800, s1;
	[dreg:$0x8] =	wrdreg s0  }
.LBB2_3:
0x13: {  	s25 =	simm.s32 $0x0;
	s0 =	rddreg [dreg:$0x7];
	s9 =	simm.s32 $0x3000  }
0x14: {  	s28 =	simm.s32 $0x1C00;
	s29 =	simm.s32 $0x4800;
	s30 =	simm.s32 $0x1800  }
0x15: {  	[tilespmem:s25], [sflag:$0x2] =	stream.linear.gather [hbm4b:s0+s25], $0x2000, $0x38;
	[tilespmem:$0x1CD00] =	vst v63  }
0x16: {  	s31 =	simm.s32 $0x4400;
	s1 =	simm.s32 $0x4000;
	_ =	swait.ge [sflag:s16], $0x2000  }
0x17: {  	s21 =	simm.s32 $0x1000;
	s22 =	simm.s32 $0x3C00;
	[sflag:s16] =	ssyncset.done $0x0  }
0x18: {  	s23 =	simm.s32 $0xC00;
	s26 =	rddreg [dreg:$0x8];
	[sflag:s16] =	ssyncadd.s32 $0xFFFFE000  }
0x19: {  	[tilespmem:s9], [sflag:$0x2] =	stream.linear.gather [hbm4b:s26+s25], $0x2000, $0x38;
	[tilespmem:$0x1CD00] =	vst v63  }
0x1a: {  	s24 =	simm.s32 $0x3800;
	s10 =	simm.s32 $0x800;
	_ =	swait.ge [sflag:s16], $0x2000  }
0x1b: {  	s11 =	simm.s32 $0x3400;
	s12 =	simm.s32 $0x400;
	[sflag:s16] =	ssyncset.done $0x0  }
0x1c: {  	s0 =	simm.s32 $0x1400;
	s26 =	simm.s32 $0x4C00;
	[sflag:s16] =	ssyncadd.s32 $0xFFFFE000  }
.LBB2_4:
0x1d: {  	[tilespmem:s18], [sflag:$0x1] =	stream.indirect.gather [spmem:s2], $0x20, s25, s17, $0xb8;
	[tilespmem:$0x1CD00] =	vst v63  }
0x1e: {  	_ =	swait.ge [sflag:s19], $0x8000  }
0x1f: {  	[sflag:s19] =	ssyncset.done $0x0  }
0x20: {  	[sflag:s19] =	ssyncadd.s32 $0xFFFF8000  }
0x21: {  	[spmem:s3] =	stream.indirect.scatter.add.f32 [tilespmem:s18], [sflag:$0x2], $0x20, s9, s17, $0xb8;
	[tilespmem:$0x1CD00] =	vst v63  }
0x22: {  	_ =	swait.ge [sflag:s16], $0x8000  }
0x23: {  	[sflag:s16] =	ssyncset.done $0x0  }
0x24: {  	[sflag:s16] =	ssyncadd.s32 $0xFFFF8000  }
0x25: {  	[tilespmem:s18], [sflag:$0x1] =	stream.indirect.gather [spmem:s2], $0x20, s12, s17, $0xb8;
	[tilespmem:$0x1CD00] =	vst v63  }
0x26: {  	_ =	swait.ge [sflag:s19], $0x8000  }
0x27: {  	[sflag:s19] =	ssyncset.done $0x0  }
0x28: {  	[sflag:s19] =	ssyncadd.s32 $0xFFFF8000  }
0x29: {  	[spmem:s3] =	stream.indirect.scatter.add.f32 [tilespmem:s18], [sflag:$0x2], $0x20, s11, s17, $0xb8;
	[tilespmem:$0x1CD00] =	vst v63  }
0x2a: {  	_ =	swait.ge [sflag:s16], $0x8000  }
0x2b: {  	[sflag:s16] =	ssyncset.done $0x0  }
0x2c: {  	[sflag:s16] =	ssyncadd.s32 $0xFFFF8000  }
0x2d: {  	[tilespmem:s18], [sflag:$0x1] =	stream.indirect.gather [spmem:s2], $0x20, s10, s17, $0xb8;
	[tilespmem:$0x1CD00] =	vst v63  }
0x2e: {  	_ =	swait.ge [sflag:s19], $0x8000  }
0x2f: {  	[sflag:s19] =	ssyncset.done $0x0  }
0x30: {  	[sflag:s19] =	ssyncadd.s32 $0xFFFF8000  }
0x31: {  	[spmem:s3] =	stream.indirect.scatter.add.f32 [tilespmem:s18], [sflag:$0x2], $0x20, s24, s17, $0xb8;
	[tilespmem:$0x1CD00] =	vst v63  }
0x32: {  	_ =	swait.ge [sflag:s16], $0x8000  }
0x33: {  	[sflag:s16] =	ssyncset.done $0x0  }
0x34: {  	[sflag:s16] =	ssyncadd.s32 $0xFFFF8000  }
0x35: {  	[tilespmem:s18], [sflag:$0x1] =	stream.indirect.gather [spmem:s2], $0x20, s23, s17, $0xb8;
	[tilespmem:$0x1CD00] =	vst v63  }
0x36: {  	_ =	swait.ge [sflag:s19], $0x8000  }
0x37: {  	[sflag:s19] =	ssyncset.done $0x0  }
0x38: {  	[sflag:s19] =	ssyncadd.s32 $0xFFFF8000  }
0x39: {  	[spmem:s3] =	stream.indirect.scatter.add.f32 [tilespmem:s18], [sflag:$0x2], $0x20, s22, s17, $0xb8;
	[tilespmem:$0x1CD00] =	vst v63  }
0x3a: {  	_ =	swait.ge [sflag:s16], $0x8000  }
0x3b: {  	[sflag:s16] =	ssyncset.done $0x0  }
0x3c: {  	[sflag:s16] =	ssyncadd.s32 $0xFFFF8000  }
0x3d: {  	[tilespmem:s18], [sflag:$0x1] =	stream.indirect.gather [spmem:s2], $0x20, s21, s17, $0xb8;
	[tilespmem:$0x1CD00] =	vst v63  }
0x3e: {  	_ =	swait.ge [sflag:s19], $0x8000  }
0x3f: {  	[sflag:s19] =	ssyncset.done $0x0  }
0x40: {  	[sflag:s19] =	ssyncadd.s32 $0xFFFF8000  }
0x41: {  	[spmem:s3] =	stream.indirect.scatter.add.f32 [tilespmem:s18], [sflag:$0x2], $0x20, s1, s17, $0xb8;
	[tilespmem:$0x1CD00] =	vst v63  }
0x42: {  	_ =	swait.ge [sflag:s16], $0x8000  }
0x43: {  	[sflag:s16] =	ssyncset.done $0x0  }
0x44: {  	[sflag:s16] =	ssyncadd.s32 $0xFFFF8000  }
0x45: {  	[tilespmem:s18], [sflag:$0x1] =	stream.indirect.gather [spmem:s2], $0x20, s0, s17, $0xb8;
	[tilespmem:$0x1CD00] =	vst v63  }
0x46: {  	_ =	swait.ge [sflag:s19], $0x8000  }
0x47: {  	[sflag:s19] =	ssyncset.done $0x0  }
0x48: {  	[sflag:s19] =	ssyncadd.s32 $0xFFFF8000  }
0x49: {  	[spmem:s3] =	stream.indirect.scatter.add.f32 [tilespmem:s18], [sflag:$0x2], $0x20, s31, s17, $0xb8;
	[tilespmem:$0x1CD00] =	vst v63  }
0x4a: {  	_ =	swait.ge [sflag:s16], $0x8000  }
0x4b: {  	[sflag:s16] =	ssyncset.done $0x0  }
0x4c: {  	[sflag:s16] =	ssyncadd.s32 $0xFFFF8000  }
0x4d: {  	[tilespmem:s18], [sflag:$0x1] =	stream.indirect.gather [spmem:s2], $0x20, s30, s17, $0xb8;
	[tilespmem:$0x1CD00] =	vst v63  }
0x4e: {  	_ =	swait.ge [sflag:s19], $0x8000  }
0x4f: {  	[sflag:s19] =	ssyncset.done $0x0  }
0x50: {  	[sflag:s19] =	ssyncadd.s32 $0xFFFF8000  }
0x51: {  	[spmem:s3] =	stream.indirect.scatter.add.f32 [tilespmem:s18], [sflag:$0x2], $0x20, s29, s17, $0xb8;
	[tilespmem:$0x1CD00] =	vst v63  }
0x52: {  	_ =	swait.ge [sflag:s16], $0x8000  }
0x53: {  	[sflag:s16] =	ssyncset.done $0x0  }
0x54: {  	[sflag:s16] =	ssyncadd.s32 $0xFFFF8000  }
0x55: {  	[tilespmem:s18], [sflag:$0x1] =	stream.indirect.gather [spmem:s2], $0x20, s28, s17, $0xb8;
	[tilespmem:$0x1CD00] =	vst v63  }
0x56: {  	_ =	swait.ge [sflag:s19], $0x8000  }
0x57: {  	[sflag:s19] =	ssyncset.done $0x0  }
0x58: {  	[sflag:s19] =	ssyncadd.s32 $0xFFFF8000  }
0x59: {  	[spmem:s3] =	stream.indirect.scatter.add.f32 [tilespmem:s18], [sflag:$0x2], $0x20, s26, s17, $0xb8;
	[tilespmem:$0x1CD00] =	vst v63  }
0x5a: {  	_ =	swait.ge [sflag:s16], $0x8000  }
0x5b: {  	[sflag:s16] =	ssyncset.done $0x0  }
0x5c: {  	[sflag:s16] =	ssyncadd.s32 $0xFFFF8000  }
0x5d: {  	[bflag:$0x0] =	sbarrier.arrive $0xFFFF  }
0x5e: {  	[tilespmem:s15], [sflag:$0x2] =	stream.linear.gather [spmem:s8], $0x4F00, $0x38;
	[tilespmem:$0x1CD00] =	vst v63  }
0x5f: {  	s14 =	sadd.s32 $0xFFFFFFFF, s14;
	_ =	swait.ge [sflag:s16], $0x4F00  }
0x60: {  	p1 =	sne.s32 s14, $0x0;
	[sflag:s16] =	ssyncset.done $0x0  }
.Ltmp1:
0x61: {  	[sflag:s16] =	ssyncadd.s32 $0xFFFFB100;
	(pc) =	sbr.rel @!p1 .LBB2_5-.Ltmp1, $4  }
0x62: {  	[hbm4b:s13+s4] =	stream.linear.scatter [tilespmem:s15], [sflag:$0x2], $0x4F00, $0x38;
	[tilespmem:$0x1CD00] =	vst v63  }
0x63: {  	_ =	swait.ge [sflag:s16], $0x4F00  }
0x64: {  	[sflag:s16] =	ssyncset.done $0x0  }
0x65: {  	[sflag:s16] =	ssyncadd.s32 $0xFFFFB100  }
.LBB2_1:
0x66: {  	[tilespmem:s15], [sflag:$0x2] =	stream.linear.gather [hbm4b:s6+s4], $0x4F00, $0x38;
	[tilespmem:$0x1CD00] =	vst v63  }
0x67: {  	_ =	swait.ge [sflag:s16], $0x4F00  }
0x68: {  	[sflag:s16] =	ssyncset.done $0x0  }
0x69: {  	[sflag:s16] =	ssyncadd.s32 $0xFFFFB100  }
0x6a: {  	[spmem:s7] =	stream.linear.scatter [tilespmem:s15], [sflag:$0x2], $0x4F00, $0x38;
	[tilespmem:$0x1CD00] =	vst v63  }
0x6b: {  	_ =	swait.ge [sflag:s16], $0x4F00  }
0x6c: {  	[sflag:s16] =	ssyncset.done $0x0  }
0x6d: {  	[sflag:s16] =	ssyncadd.s32 $0xFFFFB100  }
0x6e: {  	[tilespmem:s15], [sflag:$0x2] =	stream.linear.gather [hbm4b:s5+s4], $0x4F00, $0x38;
	[tilespmem:$0x1CD00] =	vst v63  }
0x6f: {  	_ =	swait.ge [sflag:s16], $0x4F00  }
0x70: {  	[sflag:s16] =	ssyncset.done $0x0  }
0x71: {  	[sflag:s16] =	ssyncadd.s32 $0xFFFFB100  }
0x72: {  	[spmem:s8] =	stream.linear.scatter [tilespmem:s15], [sflag:$0x2], $0x4F00, $0x38;
	[tilespmem:$0x1CD00] =	vst v63  }
.Ltmp2:
0x73: {  	_ =	swait.ge [sflag:s16], $0x4F00;
	(pc) =	sbr.rel @p0 .LBB2_3-.Ltmp2, $3  }
0x74: {  	[sflag:s16] =	ssyncset.done $0x0  }
0x75: {  	[sflag:s16] =	ssyncadd.s32 $0xFFFFB100  }
0x76: {  	[bflag:$0x0] =	sbarrier.arrive $0xFFFF;
	_ =	sdelay $0x1  }
0x77: {  	s0 =	rddreg [dreg:$0x5]  }
0x78: {  	[tilespmem:s4], [sflag:$0x2] =	stream.linear.gather [hbm4b:s0+s4], $0x3000, $0x38;
	[tilespmem:$0x1CD00] =	vst v63  }
0x79: {  	_ =	swait.ge [sflag:s16], $0x3000  }
0x7a: {  	[sflag:s16] =	ssyncset.done $0x0  }
0x7b: {  	s21 =	rddreg [dreg:$0x6];
	[sflag:s16] =	ssyncadd.s32 $0xFFFFD000  }
0x7c: {  	[tilespmem:s20], [sflag:$0x2] =	stream.linear.gather [hbm4b:s21+s4], $0x3000, $0x38;
	[tilespmem:$0x1CD00] =	vst v63  }
0x7d: {  	_ =	swait.ge [sflag:s16], $0x3000  }
0x7e: {  	[sflag:s16] =	ssyncset.done $0x0  }
0x7f: {  	[sflag:s16] =	ssyncadd.s32 $0xFFFFD000  }
0x80: {  	[tilespmem:s18], [sflag:$0x1] =	stream.indirect.gather [spmem:s2], $0x20, s4, s17, $0xb8;
	[tilespmem:$0x1CD00] =	vst v63  }
0x81: {  	_ =	swait.ge [sflag:s19], $0x8000  }
0x82: {  	[sflag:s19] =	ssyncset.done $0x0  }
0x83: {  	[sflag:s19] =	ssyncadd.s32 $0xFFFF8000  }
0x84: {  	[spmem:s3] =	stream.indirect.scatter.add.f32 [tilespmem:s18], [sflag:$0x2], $0x20, s20, s17, $0xb8;
	[tilespmem:$0x1CD00] =	vst v63  }
0x85: {  	_ =	swait.ge [sflag:s16], $0x8000  }
0x86: {  	[sflag:s16] =	ssyncset.done $0x0  }
0x87: {  	[sflag:s16] =	ssyncadd.s32 $0xFFFF8000  }
0x88: {  	[tilespmem:s18], [sflag:$0x1] =	stream.indirect.gather [spmem:s2], $0x20, s17, s17, $0xb8;
	[tilespmem:$0x1CD00] =	vst v63  }
0x89: {  	_ =	swait.ge [sflag:s19], $0x8000  }
0x8a: {  	[sflag:s19] =	ssyncset.done $0x0  }
0x8b: {  	s22 =	simm.s32 $0x3400;
	[sflag:s19] =	ssyncadd.s32 $0xFFFF8000  }
0x8c: {  	[spmem:s3] =	stream.indirect.scatter.add.f32 [tilespmem:s18], [sflag:$0x2], $0x20, s22, s17, $0xb8;
	[tilespmem:$0x1CD00] =	vst v63  }
0x8d: {  	_ =	swait.ge [sflag:s16], $0x8000  }
0x8e: {  	[sflag:s16] =	ssyncset.done $0x0  }
0x8f: {  	s23 =	simm.s32 $0x800;
	[sflag:s16] =	ssyncadd.s32 $0xFFFF8000  }
0x90: {  	[tilespmem:s18], [sflag:$0x1] =	stream.indirect.gather [spmem:s2], $0x20, s23, s17, $0xb8;
	[tilespmem:$0x1CD00] =	vst v63  }
0x91: {  	_ =	swait.ge [sflag:s19], $0x8000  }
0x92: {  	[sflag:s19] =	ssyncset.done $0x0  }
0x93: {  	s24 =	simm.s32 $0x3800;
	s25 =	simm.s32 $0xC00;
	[sflag:s19] =	ssyncadd.s32 $0xFFFF8000  }
0x94: {  	[spmem:s3] =	stream.indirect.scatter.add.f32 [tilespmem:s18], [sflag:$0x2], $0x20, s24, s17, $0xb8;
	[tilespmem:$0x1CD00] =	vst v63  }
0x95: {  	s26 =	simm.s32 $0x3C00;
	s28 =	simm.s32 $0x2C00;
	_ =	swait.ge [sflag:s16], $0x8000  }
0x96: {  	s29 =	simm.s32 $0x5800;
	s30 =	simm.s32 $0x2800;
	[sflag:s16] =	ssyncset.done $0x0  }
0x97: {  	s31 =	simm.s32 $0x5400;
	s1 =	simm.s32 $0x5000;
	[sflag:s16] =	ssyncadd.s32 $0xFFFF8000  }
0x98: {  	[tilespmem:s18], [sflag:$0x1] =	stream.indirect.gather [spmem:s2], $0x20, s25, s17, $0xb8;
	[tilespmem:$0x1CD00] =	vst v63  }
0x99: {  	s10 =	simm.s32 $0x1800;
	s11 =	simm.s32 $0x4400;
	_ =	swait.ge [sflag:s19], $0x8000  }
0x9a: {  	s12 =	simm.s32 $0x1400;
	s9 =	simm.s32 $0x4000;
	[sflag:s19] =	ssyncset.done $0x0  }
.Ltmp3:
0x9b: {  	s0 =	simm.s32 $0x2400;
	[sflag:s19] =	ssyncadd.s32 $0xFFFF8000;
	(pc) =	sbr.rel .LBB2_4-.Ltmp3, $4  }
0x9c: {  	[spmem:s3] =	stream.indirect.scatter.add.f32 [tilespmem:s18], [sflag:$0x2], $0x20, s26, s17, $0xb8;
	[tilespmem:$0x1CD00] =	vst v63  }
0x9d: {  	s21 =	simm.s32 $0x2000;
	s22 =	simm.s32 $0x4C00;
	_ =	swait.ge [sflag:s16], $0x8000  }
0x9e: {  	s23 =	simm.s32 $0x1C00;
	s24 =	simm.s32 $0x4800;
	[sflag:s16] =	ssyncset.done $0x0  }
0x9f: {  	s25 =	simm.s32 $0x1000;
	s26 =	simm.s32 $0x5C00;
	[sflag:s16] =	ssyncadd.s32 $0xFFFF8000  }
.LBB2_5:
0xa0: {  	_ =	sfence.sel $0x180000  }
0xa1: {  	[bflag:$0x0] =	sbarrier.arrive $0xFFFF  }
0xa2: {  	_ =	strace $0x9000004A  }
0xa3: {  	s0 =	stileid.u32;
	[bflag:$0x2] =	sbarrier.arrive $0xFFFF  }
0xa4: {  	p0 =	sne.s32 s0, $0x0;
	s0 =	rddreg [dreg:$0x4]  }
0xa5: {  	s0 =	sadd.s32 @!p0 $0x100000, s0  }
0xa6: {  	[sflag:s0] =	ssyncadd.tile.s32 @!p0 $0x1;
	_ =	shalt  }
.Lfunc_end2:
_tile_overlayer_lowered:
.L_overlay_start_2:
0xa7: {  	(tag) =	ssettag $0x2  }
0xa8: {  	s0 =	rddreg [dreg:$0x0];
	s2 =	stileid.u32  }
0xa9: {  	s1 =	rddreg [dreg:$0x1];
	p0 =	sne.s32 s2, $0x0  }
0xaa: {  	s3 =	rddreg [dreg:$0x2];
	[bflag:$0x3] =	sbarrier.arrive $0xFFFF;
	s2 =	simm.s32 @!p0 $0x1C02  }
0xab: {  	[timem:s3], [sflag:s2] =	dma.local @!p0 [hbm:s0], s1  }
0xac: {  	s0 =	simm.s32 @!p0 $0x2  }
0xad: {  	_ =	swait.ge @!p0 [sflag:s0], s1  }
0xae: {  	s1 =	ssub.s32 @!p0 $0x0, s1;
	[sflag:s0] =	ssyncset.done @!p0 $0x0  }
0xaf: {  	[sflag:s0] =	ssyncadd.s32 @!p0 s1  }
0xb0: {  	[bflag:$0x3] =	sbarrier.arrive $0xFFFF  }
0xb1: {  	_ =	shalt  }

// kernel: kernel.7.cloned.1.call-start
scs
__scs_entry_jumppad:
0x0: {  	(pc) =	sbr.rel $0x88, $3  }
0x1: {  	(tag) =	ssettag $0x0;
	lr =	simm.s32 $0x1  }
0x2: {  	[smem:$0x3F99] =	sst lr;
	_ =	strace $0xD0000000  }
0x3: {  	_ = 	snop  }
0x4: {  	_ = 	snop  }
0x5: {  	_ = 	snop  }
0x6: {  	_ = 	snop  }
0x7: {  	_ = 	snop  }
__scs_overlays_trampoline_lowered:
0x8: {  	[smem:$0x3FA8] =	sst s0  }
0x9: {  	[smem:$0x3FA9] =	sst s1  }
0xa: {  	[smem:$0x3FAA] =	sst s2  }
0xb: {  	[smem:$0x3FAB] =	sst s3  }
0xc: {  	[smem:$0x3FAC] =	sst s4  }
0xd: {  	[smem:$0x3FAD] =	sst s5  }
0xe: {  	[smem:$0x3FAE] =	sst s6  }
0xf: {  	[smem:$0x3FAF] =	sst s7  }
0x10: {  	[smem:$0x3FB0] =	sst s8  }
0x11: {  	[smem:$0x3FB1] =	sst s9;
	s0 =	simm.s32 @!p0 $0x0  }
0x12: {  	s1 =	sld [smem:$0x3F97];
	s0 =	simm.s32 @p0 $0x1  }
0x13: {  	[smem:$0x3FB2] =	sst s0;
	s0 =	simm.s32 @!p1 $0x0  }
0x14: {  	s2 =	sld [smem:$0x3F96];
	s0 =	simm.s32 @p1 $0x1  }
0x15: {  	[smem:$0x3FB3] =	sst s0;
	s0 =	simm.s32 @!p2 $0x0  }
0x16: {  	s3 =	sld [smem:$0x3FDB];
	s0 =	simm.s32 @p2 $0x1  }
0x17: {  	s4 =	simm.s32 $0x1BF5;
	[smem:$0x3FB5] =	sst s0  }
0x18: {  	s0 =	sld [smem:$0x3F98];
	_ =	swait.ge [sflag:s4], $0x0  }
0x19: {  	s7 =	sld [smem:$0x3F99]  }
0x1a: {  	s8 =	sadd.s32 $0xFFFFE003, lr  }
0x1b: {  	s9 =	sadd.s32 $0xFFFFFEF7, lr;
	s5 =	simm.s32 $0xFFFFFFFF;
	p2 =	slt.u32 s8, $0xFFFFF086  }
0x1c: {  	p1 =	slt.u32 s9, $0xF7A;
	s5 =	simm.s32 @!p2 $0x0  }
0x1d: {  	s5 =	simm.s32 @p1 $0x1;
	p0 =	seq.s32 s7, s2  }
0x1e: {  	s7 =	smul.u32 @!p0 $0xF7A, s2;
	p2 =	seq.s32 @!p0 s5, $0x0  }
0x1f: {  	s9 =	smul.u32 $0xF7A, s1;
	s8 =	simm.s32 @!p0 $0x1BF5;
	p2 =	por !p2, p0  }
0x20: {  	[sflag:s8] =	ssyncset.s32 @!p0 $0xFFFFF086;
	s6 =	sadd.s32 @!p0 s3, s7;
	s7 =	simm.s32 @!p0 $0x108  }
0x21: {  	s3 =	sadd.s32 s3, s9;
	s6 =	sadd.s32 @!p0 $0x88, s6;
	s7 =	simm.s32 @p2 $0x1082  }
0x22: {  	[simem:s7], [sflag:s8] =	dma.local @!p0 [hbm:s6], $0xF7A  }
0x23: {  	s9 =	sor.u32 $0xD0000000, s2;
	s6 =	simm.s32 $0x108;
	_ =	swait.ge @!p0 [sflag:s8], $0x0  }
0x24: {  	s3 =	sadd.s32 $0x88, s3;
	s6 =	simm.s32 @!p1 $0x1082;
	[sflag:s4] =	ssyncset.s32 $0xFFFFF086  }
0x25: {  	[simem:s6], [sflag:s4] =	dma.local [hbm:s3], $0xF7A  }
0x26: {  	[smem:$0x3F99] =	sst s1;
	(tag) =	ssettag s2;
	_ =	strace s9  }
0x27: {  	s1 =	sld [smem:$0x3FA9]  }
0x28: {  	s2 =	sld [smem:$0x3FAA]  }
0x29: {  	s4 =	sld [smem:$0x3FAC]  }
0x2a: {  	p0 =	seq.s32 s5, $0x0;
	s5 =	sld [smem:$0x3FAD]  }
0x2b: {  	s6 =	sld [smem:$0x3FAE]  }
0x2c: {  	s7 =	sld [smem:$0x3FAF]  }
0x2d: {  	s3 =	simm.s32 $0x108;
	s8 =	sld [smem:$0x3FB0]  }
0x2e: {  	s3 =	simm.s32 @!p0 $0x1082;
	s9 =	sld [smem:$0x3FB1]  }
0x2f: {  	lr =	sadd.s32 s0, s3;
	s0 =	sld [smem:$0x3FA8]  }
0x30: {  	s3 =	sld [smem:$0x3FAB]  }
0x31: {  	[smem:$0x3FB4] =	sst s10  }
0x32: {  	s10 =	sld [smem:$0x3FB2];
	_ =	sdelay $0x3  }
0x33: {  	p0 =	seq.s32 s10, $0x1;
	s10 =	sld [smem:$0x3FB4];
	_ =	sdelay $0x3  }
0x34: {  	[smem:$0x3FB4] =	sst s10  }
0x35: {  	s10 =	sld [smem:$0x3FB3];
	_ =	sdelay $0x3  }
0x36: {  	p1 =	seq.s32 s10, $0x1;
	s10 =	sld [smem:$0x3FB4];
	_ =	sdelay $0x3  }
0x37: {  	[smem:$0x3FB4] =	sst s10  }
0x38: {  	s10 =	sld [smem:$0x3FB5]  }
0x39: {  	_ = 	snop;
	(pc) =	sbr.ind lr, $3  }
0x3a: {  	_ = 	snop  }
0x3b: {  	_ = 	snop  }
0x3c: {  	p2 =	seq.s32 s10, $0x1;
	s10 =	sld [smem:$0x3FB4]  }
0x3d: {  	_ =	shalt  }
0x3e: {  	_ =	shalt  }
0x3f: {  	_ =	shalt  }
0x40: {  	_ =	shalt  }
0x41: {  	_ =	shalt  }
0x42: {  	_ =	shalt  }
0x43: {  	_ =	shalt  }
0x44: {  	_ =	shalt  }
0x45: {  	_ =	shalt  }
0x46: {  	_ =	shalt  }
0x47: {  	_ =	shalt  }
0x48: {  	_ =	shalt  }
0x49: {  	_ =	shalt  }
0x4a: {  	_ =	shalt  }
0x4b: {  	_ =	shalt  }
0x4c: {  	_ =	shalt  }
0x4d: {  	_ =	shalt  }
0x4e: {  	_ =	shalt  }
0x4f: {  	_ =	shalt  }
0x50: {  	_ =	shalt  }
0x51: {  	_ =	shalt  }
0x52: {  	_ =	shalt  }
0x53: {  	_ =	shalt  }
0x54: {  	_ =	shalt  }
0x55: {  	_ =	shalt  }
0x56: {  	_ =	shalt  }
0x57: {  	_ =	shalt  }
0x58: {  	_ =	shalt  }
0x59: {  	_ =	shalt  }
0x5a: {  	_ =	shalt  }
0x5b: {  	_ =	shalt  }
0x5c: {  	_ =	shalt  }
0x5d: {  	_ =	shalt  }
0x5e: {  	_ =	shalt  }
0x5f: {  	_ =	shalt  }
0x60: {  	_ =	shalt  }
0x61: {  	_ =	shalt  }
0x62: {  	_ =	shalt  }
0x63: {  	_ =	shalt  }
0x64: {  	_ =	shalt  }
0x65: {  	_ =	shalt  }
0x66: {  	_ =	shalt  }
0x67: {  	_ =	shalt  }
0x68: {  	_ =	shalt  }
0x69: {  	_ =	shalt  }
0x6a: {  	_ =	shalt  }
0x6b: {  	_ =	shalt  }
0x6c: {  	_ =	shalt  }
0x6d: {  	_ =	shalt  }
0x6e: {  	_ =	shalt  }
0x6f: {  	_ =	shalt  }
0x70: {  	_ =	shalt  }
0x71: {  	_ =	shalt  }
0x72: {  	_ =	shalt  }
0x73: {  	_ =	shalt  }
0x74: {  	_ =	shalt  }
0x75: {  	_ =	shalt  }
0x76: {  	_ =	shalt  }
0x77: {  	_ =	shalt  }
0x78: {  	_ =	shalt  }
0x79: {  	_ =	shalt  }
0x7a: {  	_ =	shalt  }
0x7b: {  	_ =	shalt  }
0x7c: {  	_ =	shalt  }
0x7d: {  	_ =	shalt  }
0x7e: {  	_ =	shalt  }
0x7f: {  	_ =	shalt  }
0x80: {  	_ =	shalt  }
0x81: {  	_ =	shalt  }
0x82: {  	_ =	shalt  }
0x83: {  	_ =	shalt  }
0x84: {  	_ =	shalt  }
0x85: {  	_ =	shalt  }
0x86: {  	_ =	shalt  }
0x87: {  	_ =	shalt  }
.Lfunc_end0:
.L_simem_size_0:
called_computation_lowered:
.L_overlay_start_0:
0x88: {  	s2 =	sld [smem:$0x3FD9]  }
0x89: {  	s3 =	sld [smem:$0x3FFE];
	_ =	sdelay $0x1  }
0x8a: {  	s1 =	srdreg.scid  }
0x8b: {  	s0 =	sand.u32 $0x1, s1  }
0x8c: {  	s17 =	sshll.u32 s0, $0xA;
	s2 =	sadd.s32 s3, s2  }
0x8d: {  	s2 =	sadd.s32 s2, s17  }
0x8e: {  	[smem:$0x3FC0] =	sst s2  }
0x8f: {  	_ = 	snop  }
0x90: {  	s2 =	sld [smem:$0x3FD0];
	(tm) =	ssettm $0x1  }
0x91: {  	s18 =	sld [smem:$0x3FFB];
	_ =	sdelay $0x3  }
0x92: {  	_ =	strace s18  }
0x93: {  	s3 =	sld [smem:$0x3FFC];
	_ =	sdelay $0x3  }
0x94: {  	_ =	strace s3  }
0x95: {  	s3 =	sld [smem:$0x3FFD];
	_ =	sdelay $0x3  }
0x96: {  	_ =	strace s3  }
0x97: {  	_ =	strace $0x8FFFFFFF  }
0x98: {  	s19 =	sld [smem:$0x3FDB];
	_ =	sdelay $0x1  }
0x99: {  	s4 =	simm.s32 $_scs_section_size  }
0x9a: {  	s5 =	simm.s32 $_size__tile_overlayer_lowered;
	s6 =	simm.s32 $_tile_overlayer_lowered  }
0x9b: {  	s22 =	simm.s32 $0x1BFF;
	s21 =	sshll.u32 s6, $0x1;
	s3 =	sadd.s32 s4, s19  }
0x9c: {  	s7 =	simm.s32 $0x0;
	s20 =	sshll.u32 s5, $0x1;
	s5 =	sadd.s32 s21, s3  }
0x9d: {  	[timem:s7], [sflag:s22] =	dma.local [hbm:s5], s20  }
0x9e: {  	_ =	swait.ge [sflag:s22], s20  }
0x9f: {  	s4 =	ssub.s32 $0x0, s20;
	[sflag:s22] =	ssyncset.done $0x0  }
0xa0: {  	[sflag:s22] =	ssyncadd.s32 s4;
	_ =	sdelay $0x1  }
0xa1: {  	s23 =	simm.s32 $0x1B8B  }
0xa2: {  	_ =	swait.ge [sflag:s23], $0x1  }
0xa3: {  	[sflag:s23] =	ssyncset.done $0x0  }
0xa4: {  	s25 =	simm.s32 $0x1B8E;
	s24 =	sld [smem:$0x3FFE];
	[sflag:s23] =	ssyncadd.s32 $0xFFFFFFFF  }
0xa5: {  	s26 =	simm.s32 $execute0_lowered;
	[smem:$0x3FD2] =	sst s25  }
0xa6: {  	s5 =	sshll.u32 s26, $0x1;
	_ =	strace $0x80000046;
	[dreg:$0x1] =	wrdreg $0xFFFFFFFF  }
0xa7: {  	s28 =	simm.s32 $_size_execute0_lowered;
	s3 =	sadd.s32 s3, s5;
	[dreg:$0x0] =	wrdreg $0x0  }
0xa8: {  	s5 =	sshll.u32 s28, $0x1;
	[dreg:$0x2] =	wrdreg s3  }
0xa9: {  	[dreg:$0x3] =	wrdreg s5  }
0xaa: {  	[dreg:$0x4] =	wrdreg $0xC0  }
0xab: {  	_ =	task [dreg:s7], $0x5FFFF  }
0xac: {  	[dreg:$0x1] =	wrdreg $0xFFFFFFFF  }
0xad: {  	[dreg:$0x0] =	wrdreg $0x60  }
0xae: {  	[dreg:$0x2] =	wrdreg s24  }
0xaf: {  	[dreg:$0x3] =	wrdreg s2  }
0xb0: {  	[dreg:$0x4] =	wrdreg $0xEF000  }
0xb1: {  	[dreg:$0x5] =	wrdreg $0xC7800  }
0xb2: {  	[dreg:$0x6] =	wrdreg $0x9  }
0xb3: {  	_ =	task.clear_ibuf [dreg:s7], $0x7FFFF;
	_ =	strace $0x90000046  }
0xb4: {  	s29 =	simm.s32 $0x9;
	_ =	strace $0x80000048  }
0xb5: {  	_ =	swait.ge [sflag:s29], $0x1  }
0xb6: {  	[sflag:s29] =	ssyncadd.s32 $0xFFFFFFFF  }
0xb7: {  	_ =	strace $0x90000048  }
0xb8: {  	_ =	sfence  }
0xb9: {  	s30 =	sld [smem:$0x0];
	_ =	sdelay $0x2  }
0xba: {  	s31 =	sshll.u32 s1, $0xD;
	s1 =	sshrl.u32 s1, $0x2  }
0xbb: {  	s3 =	sand.u32 $0x4000, s31;
	s1 =	sadd.s32 s1, s30  }
0xbc: {  	s0 =	sor.u32 s3, s0;
	s1 =	sshll.u32 s1, $0x11  }
0xbd: {  	s0 =	sor.u32 s1, s0  }
0xbe: {  	s0 =	sadd.s32 $0x8F2B, s0  }
0xbf: {  	[sflag:s0] =	ssyncadd.remote.s32 $0x1  }
0xc0: {  	_ =	sfence.sel $0xFFFF  }
0xc1: {  	[dreg:$0x0] =	wrdreg $0xFFFFFFFF;
	(pc) =	sbr.abs _section_cstart, $3  }
0xc2: {  	[dreg:$0x1] =	wrdreg $0xFFFFFFFF  }
0xc3: {  	_ =	task.clear_ibuf [dreg:s7], $0x2FFFF;
	_ =	strace $0x9FFFFFFF  }
0xc4: {  	(tm) =	ssettm $0x7FFFFFFF  }
0xc5: {  	_ =	shalt  }
tec
execute0_lowered:
.L_overlay_start_1:
0x0: {  	(tag) =	ssettag $0x1  }
0x1: {  	s0 =	rddreg [dreg:$0x0]  }
0x2: {  	s1 =	rddreg [dreg:$0x1]  }
0x3: {  	s2 =	rddreg [dreg:$0x2];
	s15 =	stileid.u32  }
0x4: {  	s3 =	rddreg [dreg:$0x3];
	s4 =	simm.s32 $0x0;
	s6 =	srdreg.scid  }
0x5: {  	s16 =	simm.s32 $0x2;
	s17 =	simm.s32 $0x400;
	s18 =	simm.s32 $0x6000  }
0x6: {  	s19 =	simm.s32 $0x1;
	s20 =	simm.s32 $0x3000;
	s9 =	smul.u32 $0x2780, s15  }
0x7: {  	[smem:$0x7FF] =	sst s4;
	s10 =	sand.u32 $0x1, s6;
	s11 =	sadd.s32 $0xAE00, s0  }
0x8: {  	s12 =	sadd.s32 $0xE00, s0;
	s13 =	smul.u32 $0x600, s15;
	s31 =	sshll.u32 s15, $0xA  }
0x9: {  	s15 =	simm.s32 $0xA000;
	_ =	strace $0x80000047;
	s6 =	ssub.s32 $0x2, s10  }
0xa: {  	s14 =	smul.u32 $0x27800, s10;
	p0 =	seq.s32 s10, $0x1;
	s10 =	sadd.s32 $0x6000, s31  }
0xb: {  	s5 =	sshrl.u32 s9, $0x3;
	s29 =	sshrl.u32 s6, $0x1;
	s8 =	sadd.s32 s9, s3  }
0xc: {  	s30 =	sadd.s32 s11, s13;
	s13 =	sadd.s32 s12, s13;
	s11 =	sadd.s32 s11, s10  }
.Ltmp0:
0xd: {  	s7 =	sadd.s32 s5, s0;
	[dreg:$0x5] =	wrdreg s30;
	(pc) =	sbr.rel .LBB2_1-.Ltmp0, $4  }
0xe: {  	s5 =	sadd.s32 $0x19E00, s0;
	s0 =	ssub.s32 s6, s29;
	[dreg:$0x6] =	wrdreg s13  }
0xf: {  	s6 =	sadd.s32 $0x14E00, s7;
	s7 =	sadd.s32 s9, s2;
	s9 =	sadd.s32 s9, s14  }
0x10: {  	s10 =	sadd.s32 s12, s10;
	[dreg:$0x7] =	wrdreg s11;
	s9 =	sshrl.u32 s9, $0x3  }
0x11: {  	[dreg:$0x8] =	wrdreg s10;
	s14 =	smax.u32 s0, $0x1;
	s13 =	sadd.s32 s1, s9  }
.LBB2_3:
0x12: {  	s25 =	simm.s32 $0x0;
	s0 =	rddreg [dreg:$0x7];
	s9 =	simm.s32 $0x3000  }
0x13: {  	s28 =	simm.s32 $0x1C00;
	s29 =	simm.s32 $0x4800;
	s30 =	simm.s32 $0x1800  }
0x14: {  	[tilespmem:s25], [sflag:$0x2] =	stream.linear.gather [hbm4b:s0+s25], $0x2000, $0x38;
	[tilespmem:$0x11680] =	vst v63  }
0x15: {  	s31 =	simm.s32 $0x4400;
	s1 =	simm.s32 $0x1400;
	_ =	swait.ge [sflag:s16], $0x2000  }
0x16: {  	s21 =	simm.s32 $0x1000;
	s22 =	simm.s32 $0x3C00;
	[sflag:s16] =	ssyncset.done $0x0  }
0x17: {  	s23 =	simm.s32 $0xC00;
	s26 =	rddreg [dreg:$0x8];
	[sflag:s16] =	ssyncadd.s32 $0xFFFFE000  }
0x18: {  	[tilespmem:s9], [sflag:$0x2] =	stream.linear.gather [hbm4b:s26+s25], $0x2000, $0x38;
	[tilespmem:$0x11680] =	vst v63  }
0x19: {  	s24 =	simm.s32 $0x3800;
	s10 =	simm.s32 $0x800;
	_ =	swait.ge [sflag:s16], $0x2000  }
0x1a: {  	s11 =	simm.s32 $0x3400;
	s12 =	simm.s32 $0x400;
	[sflag:s16] =	ssyncset.done $0x0  }
0x1b: {  	s0 =	simm.s32 $0x4000;
	s26 =	simm.s32 $0x4C00;
	[sflag:s16] =	ssyncadd.s32 $0xFFFFE000  }
.LBB2_4:
0x1c: {  	[tilespmem:s18], [sflag:$0x1] =	stream.indirect.gather [spmem:s2], $0x10, s25, s17, $0xb8;
	[tilespmem:$0x11680] =	vst v63  }
0x1d: {  	_ =	swait.ge [sflag:s19], $0x4000  }
0x1e: {  	[sflag:s19] =	ssyncset.done $0x0  }
0x1f: {  	[sflag:s19] =	ssyncadd.s32 $0xFFFFC000  }
0x20: {  	[spmem:s3] =	stream.indirect.scatter.add.f32 [tilespmem:s18], [sflag:$0x2], $0x10, s9, s17, $0xb8;
	[tilespmem:$0x11680] =	vst v63  }
0x21: {  	_ =	swait.ge [sflag:s16], $0x4000  }
0x22: {  	[sflag:s16] =	ssyncset.done $0x0  }
0x23: {  	[sflag:s16] =	ssyncadd.s32 $0xFFFFC000  }
0x24: {  	[tilespmem:s18], [sflag:$0x1] =	stream.indirect.gather [spmem:s2], $0x10, s12, s17, $0xb8;
	[tilespmem:$0x11680] =	vst v63  }
0x25: {  	_ =	swait.ge [sflag:s19], $0x4000  }
0x26: {  	[sflag:s19] =	ssyncset.done $0x0  }
0x27: {  	[sflag:s19] =	ssyncadd.s32 $0xFFFFC000  }
0x28: {  	[spmem:s3] =	stream.indirect.scatter.add.f32 [tilespmem:s18], [sflag:$0x2], $0x10, s11, s17, $0xb8;
	[tilespmem:$0x11680] =	vst v63  }
0x29: {  	_ =	swait.ge [sflag:s16], $0x4000  }
0x2a: {  	[sflag:s16] =	ssyncset.done $0x0  }
0x2b: {  	[sflag:s16] =	ssyncadd.s32 $0xFFFFC000  }
0x2c: {  	[tilespmem:s18], [sflag:$0x1] =	stream.indirect.gather [spmem:s2], $0x10, s10, s17, $0xb8;
	[tilespmem:$0x11680] =	vst v63  }
0x2d: {  	_ =	swait.ge [sflag:s19], $0x4000  }
0x2e: {  	[sflag:s19] =	ssyncset.done $0x0  }
0x2f: {  	[sflag:s19] =	ssyncadd.s32 $0xFFFFC000  }
0x30: {  	[spmem:s3] =	stream.indirect.scatter.add.f32 [tilespmem:s18], [sflag:$0x2], $0x10, s24, s17, $0xb8;
	[tilespmem:$0x11680] =	vst v63  }
0x31: {  	_ =	swait.ge [sflag:s16], $0x4000  }
0x32: {  	[sflag:s16] =	ssyncset.done $0x0  }
0x33: {  	[sflag:s16] =	ssyncadd.s32 $0xFFFFC000  }
0x34: {  	[tilespmem:s18], [sflag:$0x1] =	stream.indirect.gather [spmem:s2], $0x10, s23, s17, $0xb8;
	[tilespmem:$0x11680] =	vst v63  }
0x35: {  	_ =	swait.ge [sflag:s19], $0x4000  }
0x36: {  	[sflag:s19] =	ssyncset.done $0x0  }
0x37: {  	[sflag:s19] =	ssyncadd.s32 $0xFFFFC000  }
0x38: {  	[spmem:s3] =	stream.indirect.scatter.add.f32 [tilespmem:s18], [sflag:$0x2], $0x10, s22, s17, $0xb8;
	[tilespmem:$0x11680] =	vst v63  }
0x39: {  	_ =	swait.ge [sflag:s16], $0x4000  }
0x3a: {  	[sflag:s16] =	ssyncset.done $0x0  }
0x3b: {  	[sflag:s16] =	ssyncadd.s32 $0xFFFFC000  }
0x3c: {  	[tilespmem:s18], [sflag:$0x1] =	stream.indirect.gather [spmem:s2], $0x10, s21, s17, $0xb8;
	[tilespmem:$0x11680] =	vst v63  }
0x3d: {  	_ =	swait.ge [sflag:s19], $0x4000  }
0x3e: {  	[sflag:s19] =	ssyncset.done $0x0  }
0x3f: {  	[sflag:s19] =	ssyncadd.s32 $0xFFFFC000  }
0x40: {  	[spmem:s3] =	stream.indirect.scatter.add.f32 [tilespmem:s18], [sflag:$0x2], $0x10, s0, s17, $0xb8;
	[tilespmem:$0x11680] =	vst v63  }
0x41: {  	_ =	swait.ge [sflag:s16], $0x4000  }
0x42: {  	[sflag:s16] =	ssyncset.done $0x0  }
0x43: {  	[sflag:s16] =	ssyncadd.s32 $0xFFFFC000  }
0x44: {  	[tilespmem:s18], [sflag:$0x1] =	stream.indirect.gather [spmem:s2], $0x10, s1, s17, $0xb8;
	[tilespmem:$0x11680] =	vst v63  }
0x45: {  	_ =	swait.ge [sflag:s19], $0x4000  }
0x46: {  	[sflag:s19] =	ssyncset.done $0x0  }
0x47: {  	[sflag:s19] =	ssyncadd.s32 $0xFFFFC000  }
0x48: {  	[spmem:s3] =	stream.indirect.scatter.add.f32 [tilespmem:s18], [sflag:$0x2], $0x10, s31, s17, $0xb8;
	[tilespmem:$0x11680] =	vst v63  }
0x49: {  	_ =	swait.ge [sflag:s16], $0x4000  }
0x4a: {  	[sflag:s16] =	ssyncset.done $0x0  }
0x4b: {  	[sflag:s16] =	ssyncadd.s32 $0xFFFFC000  }
0x4c: {  	[tilespmem:s18], [sflag:$0x1] =	stream.indirect.gather [spmem:s2], $0x10, s30, s17, $0xb8;
	[tilespmem:$0x11680] =	vst v63  }
0x4d: {  	_ =	swait.ge [sflag:s19], $0x4000  }
0x4e: {  	[sflag:s19] =	ssyncset.done $0x0  }
0x4f: {  	[sflag:s19] =	ssyncadd.s32 $0xFFFFC000  }
0x50: {  	[spmem:s3] =	stream.indirect.scatter.add.f32 [tilespmem:s18], [sflag:$0x2], $0x10, s29, s17, $0xb8;
	[tilespmem:$0x11680] =	vst v63  }
0x51: {  	_ =	swait.ge [sflag:s16], $0x4000  }
0x52: {  	[sflag:s16] =	ssyncset.done $0x0  }
0x53: {  	[sflag:s16] =	ssyncadd.s32 $0xFFFFC000  }
0x54: {  	[tilespmem:s18], [sflag:$0x1] =	stream.indirect.gather [spmem:s2], $0x10, s28, s17, $0xb8;
	[tilespmem:$0x11680] =	vst v63  }
0x55: {  	_ =	swait.ge [sflag:s19], $0x4000  }
0x56: {  	[sflag:s19] =	ssyncset.done $0x0  }
0x57: {  	[sflag:s19] =	ssyncadd.s32 $0xFFFFC000  }
0x58: {  	[spmem:s3] =	stream.indirect.scatter.add.f32 [tilespmem:s18], [sflag:$0x2], $0x10, s26, s17, $0xb8;
	[tilespmem:$0x11680] =	vst v63  }
0x59: {  	_ =	swait.ge [sflag:s16], $0x4000  }
0x5a: {  	[sflag:s16] =	ssyncset.done $0x0  }
0x5b: {  	[sflag:s16] =	ssyncadd.s32 $0xFFFFC000  }
0x5c: {  	[bflag:$0x0] =	sbarrier.arrive $0xFFFF  }
0x5d: {  	[tilespmem:s15], [sflag:$0x2] =	stream.linear.gather [spmem:s8], $0x2780, $0x38;
	[tilespmem:$0x11680] =	vst v63  }
0x5e: {  	s14 =	sadd.s32 $0xFFFFFFFF, s14;
	_ =	swait.ge [sflag:s16], $0x2780  }
0x5f: {  	p1 =	sne.s32 s14, $0x0;
	[sflag:s16] =	ssyncset.done $0x0  }
.Ltmp1:
0x60: {  	[sflag:s16] =	ssyncadd.s32 $0xFFFFD880;
	(pc) =	sbr.rel @!p1 .LBB2_5-.Ltmp1, $4  }
0x61: {  	[hbm4b:s13+s4] =	stream.linear.scatter [tilespmem:s15], [sflag:$0x2], $0x2780, $0x38;
	[tilespmem:$0x11680] =	vst v63  }
0x62: {  	_ =	swait.ge [sflag:s16], $0x2780  }
0x63: {  	[sflag:s16] =	ssyncset.done $0x0  }
0x64: {  	[sflag:s16] =	ssyncadd.s32 $0xFFFFD880  }
.LBB2_1:
0x65: {  	[tilespmem:s15], [sflag:$0x2] =	stream.linear.gather [hbm4b:s6+s4], $0x2780, $0x38;
	[tilespmem:$0x11680] =	vst v63  }
0x66: {  	_ =	swait.ge [sflag:s16], $0x2780  }
0x67: {  	[sflag:s16] =	ssyncset.done $0x0  }
0x68: {  	[sflag:s16] =	ssyncadd.s32 $0xFFFFD880  }
0x69: {  	[spmem:s7] =	stream.linear.scatter [tilespmem:s15], [sflag:$0x2], $0x2780, $0x38;
	[tilespmem:$0x11680] =	vst v63  }
0x6a: {  	_ =	swait.ge [sflag:s16], $0x2780  }
0x6b: {  	[sflag:s16] =	ssyncset.done $0x0  }
0x6c: {  	[sflag:s16] =	ssyncadd.s32 $0xFFFFD880  }
0x6d: {  	[tilespmem:s15], [sflag:$0x2] =	stream.linear.gather [hbm4b:s5+s4], $0x2780, $0x38;
	[tilespmem:$0x11680] =	vst v63  }
0x6e: {  	_ =	swait.ge [sflag:s16], $0x2780  }
0x6f: {  	[sflag:s16] =	ssyncset.done $0x0  }
0x70: {  	[sflag:s16] =	ssyncadd.s32 $0xFFFFD880  }
0x71: {  	[spmem:s8] =	stream.linear.scatter [tilespmem:s15], [sflag:$0x2], $0x2780, $0x38;
	[tilespmem:$0x11680] =	vst v63  }
.Ltmp2:
0x72: {  	_ =	swait.ge [sflag:s16], $0x2780;
	(pc) =	sbr.rel @p0 .LBB2_3-.Ltmp2, $3  }
0x73: {  	[sflag:s16] =	ssyncset.done $0x0  }
0x74: {  	[sflag:s16] =	ssyncadd.s32 $0xFFFFD880  }
0x75: {  	[bflag:$0x0] =	sbarrier.arrive $0xFFFF;
	_ =	sdelay $0x1  }
0x76: {  	s0 =	rddreg [dreg:$0x5]  }
0x77: {  	[tilespmem:s4], [sflag:$0x2] =	stream.linear.gather [hbm4b:s0+s4], $0x3000, $0x38;
	[tilespmem:$0x11680] =	vst v63  }
0x78: {  	_ =	swait.ge [sflag:s16], $0x3000  }
0x79: {  	[sflag:s16] =	ssyncset.done $0x0  }
0x7a: {  	s21 =	rddreg [dreg:$0x6];
	[sflag:s16] =	ssyncadd.s32 $0xFFFFD000  }
0x7b: {  	[tilespmem:s20], [sflag:$0x2] =	stream.linear.gather [hbm4b:s21+s4], $0x3000, $0x38;
	[tilespmem:$0x11680] =	vst v63  }
0x7c: {  	_ =	swait.ge [sflag:s16], $0x3000  }
0x7d: {  	[sflag:s16] =	ssyncset.done $0x0  }
0x7e: {  	[sflag:s16] =	ssyncadd.s32 $0xFFFFD000  }
0x7f: {  	[tilespmem:s18], [sflag:$0x1] =	stream.indirect.gather [spmem:s2], $0x10, s4, s17, $0xb8;
	[tilespmem:$0x11680] =	vst v63  }
0x80: {  	_ =	swait.ge [sflag:s19], $0x4000  }
0x81: {  	[sflag:s19] =	ssyncset.done $0x0  }
0x82: {  	[sflag:s19] =	ssyncadd.s32 $0xFFFFC000  }
0x83: {  	[spmem:s3] =	stream.indirect.scatter.add.f32 [tilespmem:s18], [sflag:$0x2], $0x10, s20, s17, $0xb8;
	[tilespmem:$0x11680] =	vst v63  }
0x84: {  	_ =	swait.ge [sflag:s16], $0x4000  }
0x85: {  	[sflag:s16] =	ssyncset.done $0x0  }
0x86: {  	[sflag:s16] =	ssyncadd.s32 $0xFFFFC000  }
0x87: {  	[tilespmem:s18], [sflag:$0x1] =	stream.indirect.gather [spmem:s2], $0x10, s17, s17, $0xb8;
	[tilespmem:$0x11680] =	vst v63  }
0x88: {  	_ =	swait.ge [sflag:s19], $0x4000  }
0x89: {  	[sflag:s19] =	ssyncset.done $0x0  }
0x8a: {  	s22 =	simm.s32 $0x3400;
	[sflag:s19] =	ssyncadd.s32 $0xFFFFC000  }
0x8b: {  	[spmem:s3] =	stream.indirect.scatter.add.f32 [tilespmem:s18], [sflag:$0x2], $0x10, s22, s17, $0xb8;
	[tilespmem:$0x11680] =	vst v63  }
0x8c: {  	_ =	swait.ge [sflag:s16], $0x4000  }
0x8d: {  	[sflag:s16] =	ssyncset.done $0x0  }
0x8e: {  	s23 =	simm.s32 $0x800;
	[sflag:s16] =	ssyncadd.s32 $0xFFFFC000  }
0x8f: {  	[tilespmem:s18], [sflag:$0x1] =	stream.indirect.gather [spmem:s2], $0x10, s23, s17, $0xb8;
	[tilespmem:$0x11680] =	vst v63  }
0x90: {  	_ =	swait.ge [sflag:s19], $0x4000  }
0x91: {  	[sflag:s19] =	ssyncset.done $0x0  }
0x92: {  	s24 =	simm.s32 $0x3800;
	s25 =	simm.s32 $0xC00;
	[sflag:s19] =	ssyncadd.s32 $0xFFFFC000  }
0x93: {  	[spmem:s3] =	stream.indirect.scatter.add.f32 [tilespmem:s18], [sflag:$0x2], $0x10, s24, s17, $0xb8;
	[tilespmem:$0x11680] =	vst v63  }
0x94: {  	s26 =	simm.s32 $0x3C00;
	s28 =	simm.s32 $0x2C00;
	_ =	swait.ge [sflag:s16], $0x4000  }
0x95: {  	s29 =	simm.s32 $0x5800;
	s30 =	simm.s32 $0x2800;
	[sflag:s16] =	ssyncset.done $0x0  }
0x96: {  	s31 =	simm.s32 $0x5400;
	s1 =	simm.s32 $0x2400;
	[sflag:s16] =	ssyncadd.s32 $0xFFFFC000  }
0x97: {  	[tilespmem:s18], [sflag:$0x1] =	stream.indirect.gather [spmem:s2], $0x10, s25, s17, $0xb8;
	[tilespmem:$0x11680] =	vst v63  }
0x98: {  	s10 =	simm.s32 $0x1800;
	s11 =	simm.s32 $0x4400;
	_ =	swait.ge [sflag:s19], $0x4000  }
0x99: {  	s12 =	simm.s32 $0x1400;
	s9 =	simm.s32 $0x4000;
	[sflag:s19] =	ssyncset.done $0x0  }
.Ltmp3:
0x9a: {  	s0 =	simm.s32 $0x5000;
	[sflag:s19] =	ssyncadd.s32 $0xFFFFC000;
	(pc) =	sbr.rel .LBB2_4-.Ltmp3, $4  }
0x9b: {  	[spmem:s3] =	stream.indirect.scatter.add.f32 [tilespmem:s18], [sflag:$0x2], $0x10, s26, s17, $0xb8;
	[tilespmem:$0x11680] =	vst v63  }
0x9c: {  	s21 =	simm.s32 $0x2000;
	s22 =	simm.s32 $0x4C00;
	_ =	swait.ge [sflag:s16], $0x4000  }
0x9d: {  	s23 =	simm.s32 $0x1C00;
	s24 =	simm.s32 $0x4800;
	[sflag:s16] =	ssyncset.done $0x0  }
0x9e: {  	s25 =	simm.s32 $0x1000;
	s26 =	simm.s32 $0x5C00;
	[sflag:s16] =	ssyncadd.s32 $0xFFFFC000  }
.LBB2_5:
0x9f: {  	_ =	sfence.sel $0x180000  }
0xa0: {  	[bflag:$0x0] =	sbarrier.arrive $0xFFFF  }
0xa1: {  	_ =	strace $0x90000047  }
0xa2: {  	s0 =	stileid.u32;
	[bflag:$0x2] =	sbarrier.arrive $0xFFFF  }
0xa3: {  	p0 =	sne.s32 s0, $0x0;
	s0 =	rddreg [dreg:$0x4]  }
0xa4: {  	s0 =	sadd.s32 @!p0 $0x100000, s0  }
0xa5: {  	[sflag:s0] =	ssyncadd.tile.s32 @!p0 $0x1;
	_ =	shalt  }
.Lfunc_end2:
_tile_overlayer_lowered:
.L_overlay_start_2:
0xa6: {  	(tag) =	ssettag $0x2  }
0xa7: {  	s0 =	rddreg [dreg:$0x0];
	s2 =	stileid.u32  }
0xa8: {  	s1 =	rddreg [dreg:$0x1];
	p0 =	sne.s32 s2, $0x0  }
0xa9: {  	s3 =	rddreg [dreg:$0x2];
	[bflag:$0x3] =	sbarrier.arrive $0xFFFF;
	s2 =	simm.s32 @!p0 $0x1C02  }
0xaa: {  	[timem:s3], [sflag:s2] =	dma.local @!p0 [hbm:s0], s1  }
0xab: {  	s0 =	simm.s32 @!p0 $0x2  }
0xac: {  	_ =	swait.ge @!p0 [sflag:s0], s1  }
0xad: {  	s1 =	ssub.s32 @!p0 $0x0, s1;
	[sflag:s0] =	ssyncset.done @!p0 $0x0  }
0xae: {  	[sflag:s0] =	ssyncadd.s32 @!p0 s1  }
0xaf: {  	[bflag:$0x3] =	sbarrier.arrive $0xFFFF  }
0xb0: {  	_ =	shalt  }

</sc_bundles>
